<compile_context>
chip_gen: v7x
topology: tpu7x:2x2x1
jax: 0.10.2.dev20260603
libtpu: 0.0.44.dev20260713+nightly
codegen_flags: <defaults>
</compile_context>

<pallas_src>
import functools

import jax
import jax.numpy as jnp
from jax import lax
from jax.experimental import pallas as pl
from jax.experimental.pallas import tpu as pltpu
from jax.experimental.pallas import tpu_sc as plsc

N = 10000
NPAD = 10240
D = 128
E = 320000
EPAD = 323584
NC, NS = 2, 16
NW = NC * NS
EPT = EPAD // NW
CHUNK = 128
NCHUNK = EPT // CHUNK
RPT = NPAD // NS
BM = 256


def _sc_mesh():
    return plsc.VectorSubcoreMesh(
        core_axis_name="c", subcore_axis_name="s",
        num_cores=NC, num_subcores=NS)


def _fill_rows(ref, nrows, value):
    vec = jnp.full((16,), value, jnp.float32)

    def fill(r, carry):
        for q in range(D // 16):
            ref[r, pl.ds(q * 16, 16)] = vec
        return carry
    lax.fori_loop(0, nrows, fill, 0)


def _sc_degree(dst_pad):
    @functools.partial(
        pl.kernel,
        out_type=jax.ShapeDtypeStruct((NC, NPAD, D), jnp.float32),
        mesh=_sc_mesh(),
        scratch_types=[
            pltpu.VMEM((CHUNK,), jnp.int32),
            pltpu.VMEM((CHUNK, D), jnp.float32),
            pltpu.VMEM_SHARED((NPAD, D), jnp.float32),
        ],
    )
    def deg_kernel(dst_hbm, out_hbm, didx, ones, deg_sh):
        cid = lax.axis_index("c")
        sid = lax.axis_index("s")
        wid = cid * NS + sid

        _fill_rows(ones, CHUNK, 0.0)

        def zero_slab(k, carry):
            pltpu.sync_copy(ones, deg_sh.at[pl.ds(sid * RPT + k * CHUNK, CHUNK)])
            return carry
        lax.fori_loop(0, RPT // CHUNK, zero_slab, 0)
        _fill_rows(ones, CHUNK, 1.0)
        plsc.subcore_barrier()

        def step(j, carry):
            base = wid * EPT + j * CHUNK
            pltpu.sync_copy(dst_hbm.at[pl.ds(base, CHUNK)], didx)
            pltpu.sync_copy(ones, deg_sh.at[didx], add=True)
            return carry
        lax.fori_loop(0, NCHUNK, step, 0)
        plsc.subcore_barrier()

        pltpu.sync_copy(deg_sh.at[pl.ds(sid * RPT, RPT)],
                        out_hbm.at[cid, pl.ds(sid * RPT, RPT)])

    return deg_kernel(dst_pad)


def _sc_aggregate(m, src_pad, dst_pad):
    @functools.partial(
        pl.kernel,
        out_type=jax.ShapeDtypeStruct((NC, NPAD, D), jnp.float32),
        mesh=_sc_mesh(),
        scratch_types=[
            pltpu.VMEM((CHUNK,), jnp.int32),
            pltpu.VMEM((CHUNK,), jnp.int32),
            pltpu.VMEM((CHUNK, D), jnp.float32),
            pltpu.VMEM((CHUNK, D), jnp.float32),
            pltpu.SemaphoreType.DMA,
            pltpu.VMEM_SHARED((NPAD, D), jnp.float32),
        ],
    )
    def agg_kernel(m_hbm, src_hbm, dst_hbm, out_hbm,
                   sidx, didx, rows, zbuf, gsem, acc_sh):
        cid = lax.axis_index("c")
        sid = lax.axis_index("s")
        wid = cid * NS + sid

        _fill_rows(zbuf, CHUNK, 0.0)

        def zero_slab(k, carry):
            pltpu.sync_copy(zbuf, acc_sh.at[pl.ds(sid * RPT + k * CHUNK, CHUNK)])
            return carry
        lax.fori_loop(0, RPT // CHUNK, zero_slab, 0)
        plsc.subcore_barrier()

        def step(j, carry):
            base = wid * EPT + j * CHUNK
            pltpu.sync_copy(src_hbm.at[pl.ds(base, CHUNK)], sidx)
            pltpu.sync_copy(dst_hbm.at[pl.ds(base, CHUNK)], didx)
            pltpu.async_copy(m_hbm.at[sidx], rows, gsem).wait()
            pltpu.sync_copy(rows, acc_sh.at[didx], add=True)
            return carry
        lax.fori_loop(0, NCHUNK, step, 0)
        plsc.subcore_barrier()

        pltpu.sync_copy(acc_sh.at[pl.ds(sid * RPT, RPT)],
                        out_hbm.at[cid, pl.ds(sid * RPT, RPT)])

    return agg_kernel(m, src_pad, dst_pad)


def _dinv_block(d0_ref, d1_ref, block_idx):
    deg = d0_ref[:, 0:1] + d1_ref[:, 0:1] + 1.0
    dinv = lax.rsqrt(deg)
    row = block_idx * BM + lax.broadcasted_iota(jnp.int32, (BM, 1), 0)
    return jnp.where(row < N, dinv, 0.0)


def _mm_body(x_ref, w_ref, o_ref):
    o_ref[...] = jnp.dot(x_ref[...], w_ref[...],
                         preferred_element_type=jnp.float32)


def _tc_matmul(x, wT):
    return pl.pallas_call(
        _mm_body,
        grid=(NPAD // BM,),
        in_specs=[pl.BlockSpec((BM, D), lambda i: (i, 0)),
                  pl.BlockSpec((D, D), lambda i: (0, 0))],
        out_specs=pl.BlockSpec((BM, D), lambda i: (i, 0)),
        out_shape=jax.ShapeDtypeStruct((NPAD, D), jnp.float32),
    )(x, wT)


def _scale_body(h_ref, d0_ref, d1_ref, o_ref):
    dinv = _dinv_block(d0_ref, d1_ref, pl.program_id(0))
    o_ref[...] = h_ref[...] * dinv


def _tc_scale(h, dg0, dg1):
    return pl.pallas_call(
        _scale_body,
        grid=(NPAD // BM,),
        in_specs=[pl.BlockSpec((BM, D), lambda i: (i, 0)),
                  pl.BlockSpec((BM, D), lambda i: (i, 0)),
                  pl.BlockSpec((BM, D), lambda i: (i, 0))],
        out_specs=pl.BlockSpec((BM, D), lambda i: (i, 0)),
        out_shape=jax.ShapeDtypeStruct((NPAD, D), jnp.float32),
    )(h, dg0, dg1)


def _mid_body(m_ref, a0_ref, a1_ref, d0_ref, d1_ref, b_ref, w_ref, o_ref):
    dinv = _dinv_block(d0_ref, d1_ref, pl.program_id(0))
    x1 = jnp.maximum(
        dinv * (a0_ref[...] + a1_ref[...] + m_ref[...]) + b_ref[...], 0.0)
    o_ref[...] = jnp.dot(x1, w_ref[...],
                         preferred_element_type=jnp.float32) * dinv


def _tc_mid(m1, a0, a1, dg0, dg1, b1, w2T):
    return pl.pallas_call(
        _mid_body,
        grid=(NPAD // BM,),
        in_specs=[pl.BlockSpec((BM, D), lambda i: (i, 0)),
                  pl.BlockSpec((BM, D), lambda i: (i, 0)),
                  pl.BlockSpec((BM, D), lambda i: (i, 0)),
                  pl.BlockSpec((BM, D), lambda i: (i, 0)),
                  pl.BlockSpec((BM, D), lambda i: (i, 0)),
                  pl.BlockSpec((1, D), lambda i: (0, 0)),
                  pl.BlockSpec((D, D), lambda i: (0, 0))],
        out_specs=pl.BlockSpec((BM, D), lambda i: (i, 0)),
        out_shape=jax.ShapeDtypeStruct((NPAD, D), jnp.float32),
    )(m1, a0, a1, dg0, dg1, b1, w2T)


def _final_body(m_ref, a0_ref, a1_ref, d0_ref, d1_ref, b2_ref,
                wq1a_ref, bq1a_ref, wq1b_ref, bq1b_ref,
                wq2a_ref, bq2a_ref, wq2b_ref, bq2b_ref,
                q1_ref, q2_ref):
    dinv = _dinv_block(d0_ref, d1_ref, pl.program_id(0))
    x2 = jnp.maximum(
        dinv * (a0_ref[...] + a1_ref[...] + m_ref[...]) + b2_ref[...], 0.0)
    h1 = jnp.maximum(
        jnp.dot(x2, wq1a_ref[...], preferred_element_type=jnp.float32)
        + bq1a_ref[...], 0.0)
    q1_ref[...] = jnp.dot(h1, wq1b_ref[...],
                          preferred_element_type=jnp.float32) + bq1b_ref[0, 0]
    h2 = jnp.maximum(
        jnp.dot(x2, wq2a_ref[...], preferred_element_type=jnp.float32)
        + bq2a_ref[...], 0.0)
    q2_ref[...] = jnp.dot(h2, wq2b_ref[...],
                          preferred_element_type=jnp.float32) + bq2b_ref[0, 0]


def _tc_final(m2, a0, a1, dg0, dg1, b2,
              wq1aT, bq1a, wq1bT, bq1b, wq2aT, bq2a, wq2bT, bq2b):
    full = lambda r, c: pl.BlockSpec((r, c), lambda i: (0, 0))
    blk = lambda c: pl.BlockSpec((BM, c), lambda i: (i, 0))
    return pl.pallas_call(
        _final_body,
        grid=(NPAD // BM,),
        in_specs=[blk(D), blk(D), blk(D), blk(D), blk(D), full(1, D),
                  full(D, D), full(1, D), full(D, 1), full(1, 1),
                  full(D, D), full(1, D), full(D, 1), full(1, 1)],
        out_specs=[pl.BlockSpec((BM, 1), lambda i: (i, 0)),
                   pl.BlockSpec((BM, 1), lambda i: (i, 0))],
        out_shape=[jax.ShapeDtypeStruct((NPAD, 1), jnp.float32),
                   jax.ShapeDtypeStruct((NPAD, 1), jnp.float32)],
    )(m2, a0, a1, dg0, dg1, b2,
      wq1aT, bq1a, wq1bT, bq1b, wq2aT, bq2a, wq2bT, bq2b)


def kernel(obs, action, edge_index, W1, b1, W2, b2,
           Wq1a, bq1a, Wq1b, bq1b, Wq2a, bq2a, Wq2b, bq2b):
    src = edge_index[0].astype(jnp.int32)
    dst = edge_index[1].astype(jnp.int32)
    pad_idx = jnp.full((EPAD - E,), NPAD - 1, jnp.int32)
    src_pad = jnp.concatenate([src, pad_idx])
    dst_pad = jnp.concatenate([dst, pad_idx])

    x = jnp.concatenate([obs, action], axis=1)
    x_pad = jnp.pad(x, ((0, NPAD - N), (0, 0)))

    degp = _sc_degree(dst_pad)
    dg0, dg1 = degp[0], degp[1]

    h1 = _tc_matmul(x_pad, W1.T)
    m1 = _tc_scale(h1, dg0, dg1)
    acc1 = _sc_aggregate(m1, src_pad, dst_pad)

    m2 = _tc_mid(m1, acc1[0], acc1[1], dg0, dg1, b1.reshape(1, D), W2.T)
    acc2 = _sc_aggregate(m2, src_pad, dst_pad)

    q1p, q2p = _tc_final(
        m2, acc2[0], acc2[1], dg0, dg1, b2.reshape(1, D),
        Wq1a.T, bq1a.reshape(1, D), Wq1b.T, bq1b.reshape(1, 1),
        Wq2a.T, bq2a.reshape(1, D), Wq2b.T, bq2b.reshape(1, 1))
    return q1p[:N], q2p[:N]

# --- scband reference (transcript-rebuilt; emitter-appended) ---
"""Pipeline reference for scband-critic-h2-g-maac-52175262711930 (READ-ONLY COPY).

The authoritative reference and input builder live on the scoring server;
editing this copy changes nothing except your own understanding.
"""

import jax, jax.numpy as jnp
import numpy as np

N_NODES = 10000

def _gcn_conv(x, edge_index, W, b):
    n = x.shape[0]
    h = x @ W.T
    loop = jnp.arange(n, dtype=edge_index.dtype)
    src = jnp.concatenate([edge_index[0], loop])
    dst = jnp.concatenate([edge_index[1], loop])
    ones = jnp.ones(src.shape[0], dtype=h.dtype)
    deg = jnp.zeros(n, dtype=h.dtype).at[dst].add(ones)
    dinv = jnp.where(deg > 0, deg ** -0.5, 0.0)
    norm = dinv[src] * dinv[dst]
    msg = h[src] * norm[:, None]
    out = jnp.zeros_like(h).at[dst].add(msg)
    return out + b

def setup_inputs(seed: int = 0) -> dict:
    key = jax.random.key(seed)
    ks = jax.random.split(key, 16)
    obs_dim, act_dim, hid = 96, 32, 128
    in_dim = obs_dim + act_dim
    obs = jax.random.normal(ks[0], (N_NODES, obs_dim), dtype=jnp.float32)
    action = jax.random.normal(ks[1], (N_NODES, act_dim), dtype=jnp.float32)
    edge_index = jax.random.randint(ks[2], (2, 320000), 0, N_NODES, dtype=jnp.int64)
    def lin(k, out_f, in_f):
        bound = 1.0 / np.sqrt(in_f)
        kw, kb = jax.random.split(k)
        W = jax.random.uniform(kw, (out_f, in_f), minval=-bound, maxval=bound, dtype=jnp.float32)
        b = jax.random.uniform(kb, (out_f,), minval=-bound, maxval=bound, dtype=jnp.float32)
        return W, b
    W1, b1 = lin(ks[3], hid, in_dim)
    W2, b2 = lin(ks[4], hid, hid)
    Wq1a, bq1a = lin(ks[5], hid, hid)
    Wq1b, bq1b = lin(ks[6], 1, hid)
    Wq2a, bq2a = lin(ks[7], hid, hid)
    Wq2b, bq2b = lin(ks[8], 1, hid)
    return {"obs": obs, "action": action, "edge_index": edge_index,
            "W1": W1, "b1": b1, "W2": W2, "b2": b2,
            "Wq1a": Wq1a, "bq1a": bq1a, "Wq1b": Wq1b, "bq1b": bq1b,
            "Wq2a": Wq2a, "bq2a": bq2a, "Wq2b": Wq2b, "bq2b": bq2b}

def reference(obs, action, edge_index, W1, b1, W2, b2, Wq1a, bq1a, Wq1b, bq1b, Wq2a, bq2a, Wq2b, bq2b):
    x = jnp.concatenate([obs, action], axis=1)
    x = jax.nn.relu(_gcn_conv(x, edge_index, W1, b1))
    x = jax.nn.relu(_gcn_conv(x, edge_index, W2, b2))
    h1 = jax.nn.relu(x @ Wq1a.T + bq1a)
    q1 = h1 @ Wq1b.T + bq1b
    h2 = jax.nn.relu(x @ Wq2a.T + bq2a)
    q2 = h2 @ Wq2b.T + bq2b
    return (q1, q2)

if __name__ == "__main__":
    import jax
    _d = setup_inputs()
    print(jax.jit(kernel)(*tuple(_d.values())))

</pallas_src>

<mosaic_0001>
#map = affine_map<(d0, d1) -> (0, 0)>
#map1 = affine_map<(d0, d1) -> (0)>
#map2 = affine_map<(d0, d1) -> (0, 0, 0)>
module attributes {stable_mosaic.version = 14 : i64} {
  func.func @agg_kernel(%arg0: i32, %arg1: i32, %arg2: memref<10240x128xf32, #tpu.memory_space<hbm>>, %arg3: memref<323584xi32, #tpu.memory_space<hbm>>, %arg4: memref<323584xi32, #tpu.memory_space<hbm>>, %arg5: memref<2x10240x128xf32, #tpu.memory_space<hbm>>, %arg6: memref<128xi32, #tpu.memory_space<vmem>>, %arg7: memref<128xi32, #tpu.memory_space<vmem>>, %arg8: memref<128x128xf32, #tpu.memory_space<vmem>>, %arg9: memref<128x128xf32, #tpu.memory_space<vmem>>, %arg10: memref<!tpu.dma_semaphore, #tpu.memory_space<semaphore_mem>>, %arg11: memref<10240x128xf32, #tpu.memory_space<vmem_shared>>) attributes {dimension_semantics = [#tpu.dimension_semantics<core_parallel>, #tpu.dimension_semantics<subcore_parallel>], iteration_bounds = array<i64: 2, 16>, scalar_prefetch = 0 : i64, scratch_operands = 6 : i64, tpu.core_type = #tpu.core_type<sc_vector_subcore>, window_params = [{transform_indices = #map}, {transform_indices = #map1}, {transform_indices = #map1}, {transform_indices = #map2}]} {
    %mul3A = arith.constant 16 : i32
    %mul3A_0 = arith.muli %arg0, %mul3A : i32
    %add3A = arith.addi %mul3A_0, %arg1 : i32
    %broadcast_in_dim3A = arith.constant 0.000000e+00 : f32
    %broadcast_in_dim3A_1 = vector.broadcast %broadcast_in_dim3A : f32 to vector<16xf32>
    %scan3A = arith.constant 0 : i32
    %scan3A_2 = arith.constant 0 : i32
    %scan3A_3 = arith.constant 128 : i32
    %scan3A_4 = arith.addi %scan3A_2, %scan3A_3 : i32
    %scan3A_5 = arith.constant 1 : i32
    scf.for %scan3A_24 = %scan3A_2 to %scan3A_4 step %scan3A_5  : i32 {
      %swap3A = arith.index_cast %scan3A_24 : i32 to index
      %swap3A_25 = arith.constant 0 : index
      %swap3A_26 = tpu.vector_load %arg9[%swap3A, %swap3A_25] {strides = array<i32>} : memref<128x128xf32, #tpu.memory_space<vmem>>, vector<1x16xf32>,
      %swap3A_27 = vector.shape_cast %swap3A_26 : vector<1x16xf32> to vector<16xf32>
      %swap3A_28 = vector.shape_cast %broadcast_in_dim3A_1 : vector<16xf32> to vector<1x16xf32>
      tpu.vector_store %arg9[%swap3A, %swap3A_25], %swap3A_28 {strides = array<i32>} : memref<128x128xf32, #tpu.memory_space<vmem>>, vector<1x16xf32>,
      %swap3A_29 = arith.index_cast %scan3A_24 : i32 to index
      %swap3A_30 = arith.constant 16 : index
      %swap3A_31 = tpu.vector_load %arg9[%swap3A_29, %swap3A_30] {strides = array<i32>} : memref<128x128xf32, #tpu.memory_space<vmem>>, vector<1x16xf32>,
      %swap3A_32 = vector.shape_cast %swap3A_31 : vector<1x16xf32> to vector<16xf32>
      %swap3A_33 = vector.shape_cast %broadcast_in_dim3A_1 : vector<16xf32> to vector<1x16xf32>
      tpu.vector_store %arg9[%swap3A_29, %swap3A_30], %swap3A_33 {strides = array<i32>} : memref<128x128xf32, #tpu.memory_space<vmem>>, vector<1x16xf32>,
      %swap3A_34 = arith.index_cast %scan3A_24 : i32 to index
      %swap3A_35 = arith.constant 32 : index
      %swap3A_36 = tpu.vector_load %arg9[%swap3A_34, %swap3A_35] {strides = array<i32>} : memref<128x128xf32, #tpu.memory_space<vmem>>, vector<1x16xf32>,
      %swap3A_37 = vector.shape_cast %swap3A_36 : vector<1x16xf32> to vector<16xf32>
      %swap3A_38 = vector.shape_cast %broadcast_in_dim3A_1 : vector<16xf32> to vector<1x16xf32>
      tpu.vector_store %arg9[%swap3A_34, %swap3A_35], %swap3A_38 {strides = array<i32>} : memref<128x128xf32, #tpu.memory_space<vmem>>, vector<1x16xf32>,
      %swap3A_39 = arith.index_cast %scan3A_24 : i32 to index
      %swap3A_40 = arith.constant 48 : index
      %swap3A_41 = tpu.vector_load %arg9[%swap3A_39, %swap3A_40] {strides = array<i32>} : memref<128x128xf32, #tpu.memory_space<vmem>>, vector<1x16xf32>,
      %swap3A_42 = vector.shape_cast %swap3A_41 : vector<1x16xf32> to vector<16xf32>
      %swap3A_43 = vector.shape_cast %broadcast_in_dim3A_1 : vector<16xf32> to vector<1x16xf32>
      tpu.vector_store %arg9[%swap3A_39, %swap3A_40], %swap3A_43 {strides = array<i32>} : memref<128x128xf32, #tpu.memory_space<vmem>>, vector<1x16xf32>,
      %swap3A_44 = arith.index_cast %scan3A_24 : i32 to index
      %swap3A_45 = arith.constant 64 : index
      %swap3A_46 = tpu.vector_load %arg9[%swap3A_44, %swap3A_45] {strides = array<i32>} : memref<128x128xf32, #tpu.memory_space<vmem>>, vector<1x16xf32>,
      %swap3A_47 = vector.shape_cast %swap3A_46 : vector<1x16xf32> to vector<16xf32>
      %swap3A_48 = vector.shape_cast %broadcast_in_dim3A_1 : vector<16xf32> to vector<1x16xf32>
      tpu.vector_store %arg9[%swap3A_44, %swap3A_45], %swap3A_48 {strides = array<i32>} : memref<128x128xf32, #tpu.memory_space<vmem>>, vector<1x16xf32>,
      %swap3A_49 = arith.index_cast %scan3A_24 : i32 to index
      %swap3A_50 = arith.constant 80 : index
      %swap3A_51 = tpu.vector_load %arg9[%swap3A_49, %swap3A_50] {strides = array<i32>} : memref<128x128xf32, #tpu.memory_space<vmem>>, vector<1x16xf32>,
      %swap3A_52 = vector.shape_cast %swap3A_51 : vector<1x16xf32> to vector<16xf32>
      %swap3A_53 = vector.shape_cast %broadcast_in_dim3A_1 : vector<16xf32> to vector<1x16xf32>
      tpu.vector_store %arg9[%swap3A_49, %swap3A_50], %swap3A_53 {strides = array<i32>} : memref<128x128xf32, #tpu.memory_space<vmem>>, vector<1x16xf32>,
      %swap3A_54 = arith.index_cast %scan3A_24 : i32 to index
      %swap3A_55 = arith.constant 96 : index
      %swap3A_56 = tpu.vector_load %arg9[%swap3A_54, %swap3A_55] {strides = array<i32>} : memref<128x128xf32, #tpu.memory_space<vmem>>, vector<1x16xf32>,
      %swap3A_57 = vector.shape_cast %swap3A_56 : vector<1x16xf32> to vector<16xf32>
      %swap3A_58 = vector.shape_cast %broadcast_in_dim3A_1 : vector<16xf32> to vector<1x16xf32>
      tpu.vector_store %arg9[%swap3A_54, %swap3A_55], %swap3A_58 {strides = array<i32>} : memref<128x128xf32, #tpu.memory_space<vmem>>, vector<1x16xf32>,
      %swap3A_59 = arith.index_cast %scan3A_24 : i32 to index
      %swap3A_60 = arith.constant 112 : index
      %swap3A_61 = tpu.vector_load %arg9[%swap3A_59, %swap3A_60] {strides = array<i32>} : memref<128x128xf32, #tpu.memory_space<vmem>>, vector<1x16xf32>,
      %swap3A_62 = vector.shape_cast %swap3A_61 : vector<1x16xf32> to vector<16xf32>
      %swap3A_63 = vector.shape_cast %broadcast_in_dim3A_1 : vector<16xf32> to vector<1x16xf32>
      tpu.vector_store %arg9[%swap3A_59, %swap3A_60], %swap3A_63 {strides = array<i32>} : memref<128x128xf32, #tpu.memory_space<vmem>>, vector<1x16xf32>,
    }
    %scan3A_6 = arith.constant 128 : i32
    %scan3A_7 = arith.constant 0 : i32
    %scan3A_8 = arith.constant 0 : i32
    %scan3A_9 = arith.constant 5 : i32
    %scan3A_10 = arith.addi %scan3A_8, %scan3A_9 : i32
    %scan3A_11 = arith.constant 1 : i32
    scf.for %scan3A_24 = %scan3A_8 to %scan3A_10 step %scan3A_11  : i32 {
      %mul3A_25 = arith.constant 640 : i32
      %mul3A_26 = arith.muli %arg1, %mul3A_25 : i32
      %mul3A_27 = arith.constant 128 : i32
      %mul3A_28 = arith.muli %scan3A_24, %mul3A_27 : i32
      %add3A_29 = arith.addi %mul3A_26, %mul3A_28 : i32
      "tpu.region"() ({
        %run_scoped3A = tpu.sem_alloc : memref<!tpu.dma_semaphore, #tpu.memory_space<semaphore_mem>>
        %dma_start3A = arith.constant 0 : i32
        %dma_start3A_30 = tpu.memref_slice %arg11[%add3A_29, %dma_start3A] : memref<10240x128xf32, #tpu.memory_space<vmem_shared>> -> memref<128x128xf32, #tpu.memory_space<vmem_shared>>
        %dma_start3A_31 = arith.constant 0 : i32
        %dma_start3A_32 = tpu.memref_slice %arg11[%add3A_29, %dma_start3A_31] : memref<10240x128xf32, #tpu.memory_space<vmem_shared>> -> memref<128x128xf32, #tpu.memory_space<vmem_shared>>
        tpu.enqueue_dma source(%arg9 : memref<128x128xf32, #tpu.memory_space<vmem>>) target(%dma_start3A_32 : memref<128x128xf32, #tpu.memory_space<vmem_shared>>) target_semaphore(%run_scoped3A : memref<!tpu.dma_semaphore, #tpu.memory_space<semaphore_mem>>)
        %dma_wait3A = arith.constant 0 : i32
        %dma_wait3A_33 = tpu.memref_slice %arg11[%add3A_29, %dma_wait3A] : memref<10240x128xf32, #tpu.memory_space<vmem_shared>> -> memref<128x128xf32, #tpu.memory_space<vmem_shared>>
        %dma_wait3A_34 = arith.constant 0 : i32
        %dma_wait3A_35 = tpu.memref_slice %arg11[%add3A_29, %dma_wait3A_34] : memref<10240x128xf32, #tpu.memory_space<vmem_shared>> -> memref<128x128xf32, #tpu.memory_space<vmem_shared>>
        tpu.wait_dma2 semaphore(%run_scoped3A : memref<!tpu.dma_semaphore, #tpu.memory_space<semaphore_mem>>) src(%arg9 : memref<128x128xf32, #tpu.memory_space<vmem>>) dst(%dma_wait3A_35 : memref<128x128xf32, #tpu.memory_space<vmem_shared>>)
        tpu.yield
      }) : () -> ()
    }
    %scan3A_12 = arith.constant 5 : i32
    %barrier3A = arith.constant 0 : index
    tpu.barrier barrier_id(%barrier3A)
    %scan3A_13 = arith.constant 0 : i32
    %scan3A_14 = arith.constant 0 : i32
    %scan3A_15 = arith.constant 79 : i32
    %scan3A_16 = arith.addi %scan3A_14, %scan3A_15 : i32
    %scan3A_17 = arith.constant 1 : i32
    scf.for %scan3A_24 = %scan3A_14 to %scan3A_16 step %scan3A_17  : i32 {
      %mul3A_25 = arith.constant 10112 : i32
      %mul3A_26 = arith.muli %add3A, %mul3A_25 : i32
      %mul3A_27 = arith.constant 128 : i32
      %mul3A_28 = arith.muli %scan3A_24, %mul3A_27 : i32
      %add3A_29 = arith.addi %mul3A_26, %mul3A_28 : i32
      "tpu.region"() ({
        %run_scoped3A = tpu.sem_alloc : memref<!tpu.dma_semaphore, #tpu.memory_space<semaphore_mem>>
        %dma_start3A_34 = tpu.memref_slice %arg3[%add3A_29] : memref<323584xi32, #tpu.memory_space<hbm>> -> memref<128xi32, #tpu.memory_space<hbm>>
        %dma_start3A_35 = tpu.memref_slice %arg3[%add3A_29] : memref<323584xi32, #tpu.memory_space<hbm>> -> memref<128xi32, #tpu.memory_space<hbm>>
        tpu.enqueue_dma source(%dma_start3A_35 : memref<128xi32, #tpu.memory_space<hbm>>) target(%arg6 : memref<128xi32, #tpu.memory_space<vmem>>) target_semaphore(%run_scoped3A : memref<!tpu.dma_semaphore, #tpu.memory_space<semaphore_mem>>)
        %dma_wait3A_36 = tpu.memref_slice %arg3[%add3A_29] : memref<323584xi32, #tpu.memory_space<hbm>> -> memref<128xi32, #tpu.memory_space<hbm>>
        %dma_wait3A_37 = tpu.memref_slice %arg3[%add3A_29] : memref<323584xi32, #tpu.memory_space<hbm>> -> memref<128xi32, #tpu.memory_space<hbm>>
        tpu.wait_dma2 semaphore(%run_scoped3A : memref<!tpu.dma_semaphore, #tpu.memory_space<semaphore_mem>>) src(%dma_wait3A_37 : memref<128xi32, #tpu.memory_space<hbm>>) dst(%arg6 : memref<128xi32, #tpu.memory_space<vmem>>)
        tpu.yield
      }) : () -> ()
      "tpu.region"() ({
        %run_scoped3A = tpu.sem_alloc : memref<!tpu.dma_semaphore, #tpu.memory_space<semaphore_mem>>
        %dma_start3A_34 = tpu.memref_slice %arg4[%add3A_29] : memref<323584xi32, #tpu.memory_space<hbm>> -> memref<128xi32, #tpu.memory_space<hbm>>
        %dma_start3A_35 = tpu.memref_slice %arg4[%add3A_29] : memref<323584xi32, #tpu.memory_space<hbm>> -> memref<128xi32, #tpu.memory_space<hbm>>
        tpu.enqueue_dma source(%dma_start3A_35 : memref<128xi32, #tpu.memory_space<hbm>>) target(%arg7 : memref<128xi32, #tpu.memory_space<vmem>>) target_semaphore(%run_scoped3A : memref<!tpu.dma_semaphore, #tpu.memory_space<semaphore_mem>>)
        %dma_wait3A_36 = tpu.memref_slice %arg4[%add3A_29] : memref<323584xi32, #tpu.memory_space<hbm>> -> memref<128xi32, #tpu.memory_space<hbm>>
        %dma_wait3A_37 = tpu.memref_slice %arg4[%add3A_29] : memref<323584xi32, #tpu.memory_space<hbm>> -> memref<128xi32, #tpu.memory_space<hbm>>
        tpu.wait_dma2 semaphore(%run_scoped3A : memref<!tpu.dma_semaphore, #tpu.memory_space<semaphore_mem>>) src(%dma_wait3A_37 : memref<128xi32, #tpu.memory_space<hbm>>) dst(%arg7 : memref<128xi32, #tpu.memory_space<vmem>>)
        tpu.yield
      }) : () -> ()
      %dma_start3A = arith.constant 0 : i32
      %dma_start3A_30 = arith.constant 0 : i32
      %dma_start3A_31 = tpu.memref_slice %arg2[%dma_start3A, %dma_start3A_30] : memref<10240x128xf32, #tpu.memory_space<hbm>> -> memref<10240x128xf32, #tpu.memory_space<hbm>>
      tpu.enqueue_indirect_dma source(%dma_start3A_31 : memref<10240x128xf32, #tpu.memory_space<hbm>>) target(%arg8 : memref<128x128xf32, #tpu.memory_space<vmem>>) offsets(%arg6 : memref<128xi32, #tpu.memory_space<vmem>>) semaphore(%arg10 : memref<!tpu.dma_semaphore, #tpu.memory_space<semaphore_mem>>)
      %dma_wait3A = arith.constant 0 : i32
      %dma_wait3A_32 = arith.constant 0 : i32
      %dma_wait3A_33 = tpu.memref_slice %arg2[%dma_wait3A, %dma_wait3A_32] : memref<10240x128xf32, #tpu.memory_space<hbm>> -> memref<10240x128xf32, #tpu.memory_space<hbm>>
      tpu.wait_indirect_dma semaphore(%arg10 : memref<!tpu.dma_semaphore, #tpu.memory_space<semaphore_mem>>) src(%dma_wait3A_33 : memref<10240x128xf32, #tpu.memory_space<hbm>>) dst(%arg8 : memref<128x128xf32, #tpu.memory_space<vmem>>)
      "tpu.region"() ({
        %run_scoped3A = tpu.sem_alloc : memref<!tpu.dma_semaphore, #tpu.memory_space<semaphore_mem>>
        %dma_start3A_34 = arith.constant 0 : i32
        %dma_start3A_35 = arith.constant 0 : i32
        %dma_start3A_36 = tpu.memref_slice %arg11[%dma_start3A_34, %dma_start3A_35] : memref<10240x128xf32, #tpu.memory_space<vmem_shared>> -> memref<10240x128xf32, #tpu.memory_space<vmem_shared>>
        tpu.enqueue_indirect_dma source(%arg8 : memref<128x128xf32, #tpu.memory_space<vmem>>) target(%dma_start3A_36 : memref<10240x128xf32, #tpu.memory_space<vmem_shared>>) offsets(%arg7 : memref<128xi32, #tpu.memory_space<vmem>>) semaphore(%run_scoped3A : memref<!tpu.dma_semaphore, #tpu.memory_space<semaphore_mem>>) {add = true}
        %dma_wait3A_37 = arith.constant 0 : i32
        %dma_wait3A_38 = arith.constant 0 : i32
        %dma_wait3A_39 = tpu.memref_slice %arg11[%dma_wait3A_37, %dma_wait3A_38] : memref<10240x128xf32, #tpu.memory_space<vmem_shared>> -> memref<10240x128xf32, #tpu.memory_space<vmem_shared>>
        tpu.wait_indirect_dma semaphore(%run_scoped3A : memref<!tpu.dma_semaphore, #tpu.memory_space<semaphore_mem>>) src(%arg8 : memref<128x128xf32, #tpu.memory_space<vmem>>) dst(%dma_wait3A_39 : memref<10240x128xf32, #tpu.memory_space<vmem_shared>>)
        tpu.yield
      }) : () -> ()
    }
    %scan3A_18 = arith.constant 79 : i32
    %barrier3A_19 = arith.constant 0 : index
    tpu.barrier barrier_id(%barrier3A_19)
    %mul3A_20 = arith.constant 640 : i32
    %mul3A_21 = arith.muli %arg1, %mul3A_20 : i32
    %mul3A_22 = arith.constant 640 : i32
    %mul3A_23 = arith.muli %arg1, %mul3A_22 : i32
    "tpu.region"() ({
      %run_scoped3A = tpu.sem_alloc : memref<!tpu.dma_semaphore, #tpu.memory_space<semaphore_mem>>
      %dma_start3A = arith.constant 0 : i32
      %dma_start3A_24 = tpu.memref_slice %arg5[%arg0, %mul3A_23, %dma_start3A] : memref<2x10240x128xf32, #tpu.memory_space<hbm>> -> memref<1x640x128xf32, #tpu.memory_space<hbm>>
      %dma_start3A_25 = tpu.memref_squeeze %dma_start3A_24 : memref<1x640x128xf32, #tpu.memory_space<hbm>> -> memref<640x128xf32, #tpu.memory_space<hbm>>
      %dma_start3A_26 = arith.constant 0 : i32
      %dma_start3A_27 = tpu.memref_slice %arg11[%mul3A_21, %dma_start3A_26] : memref<10240x128xf32, #tpu.memory_space<vmem_shared>> -> memref<640x128xf32, #tpu.memory_space<vmem_shared>>
      tpu.enqueue_dma source(%dma_start3A_27 : memref<640x128xf32, #tpu.memory_space<vmem_shared>>) target(%dma_start3A_25 : memref<640x128xf32, #tpu.memory_space<hbm>>) target_semaphore(%run_scoped3A : memref<!tpu.dma_semaphore, #tpu.memory_space<semaphore_mem>>)
      %dma_wait3A = arith.constant 0 : i32
      %dma_wait3A_28 = tpu.memref_slice %arg5[%arg0, %mul3A_23, %dma_wait3A] : memref<2x10240x128xf32, #tpu.memory_space<hbm>> -> memref<1x640x128xf32, #tpu.memory_space<hbm>>
      %dma_wait3A_29 = tpu.memref_squeeze %dma_wait3A_28 : memref<1x640x128xf32, #tpu.memory_space<hbm>> -> memref<640x128xf32, #tpu.memory_space<hbm>>
      %dma_wait3A_30 = arith.constant 0 : i32
      %dma_wait3A_31 = tpu.memref_slice %arg11[%mul3A_21, %dma_wait3A_30] : memref<10240x128xf32, #tpu.memory_space<vmem_shared>> -> memref<640x128xf32, #tpu.memory_space<vmem_shared>>
      tpu.wait_dma2 semaphore(%run_scoped3A : memref<!tpu.dma_semaphore, #tpu.memory_space<semaphore_mem>>) src(%dma_wait3A_31 : memref<640x128xf32, #tpu.memory_space<vmem_shared>>) dst(%dma_wait3A_29 : memref<640x128xf32, #tpu.memory_space<hbm>>)
      tpu.yield
    }) : () -> ()
    return
  }
}

#map = affine_map<(d0, d1) -> (0, 0)>
#map1 = affine_map<(d0, d1) -> (0)>
#map2 = affine_map<(d0, d1) -> (0, 0, 0)>
module attributes {stable_mosaic.version = 14 : i64} {
  func.func @agg_kernel(%arg0: i32, %arg1: i32, %arg2: memref<10240x128xf32, #tpu.memory_space<hbm>>, %arg3: memref<323584xi32, #tpu.memory_space<hbm>>, %arg4: memref<323584xi32, #tpu.memory_space<hbm>>, %arg5: memref<2x10240x128xf32, #tpu.memory_space<hbm>>, %arg6: memref<128xi32, #tpu.memory_space<vmem>>, %arg7: memref<128xi32, #tpu.memory_space<vmem>>, %arg8: memref<128x128xf32, #tpu.memory_space<vmem>>, %arg9: memref<128x128xf32, #tpu.memory_space<vmem>>, %arg10: memref<!tpu.dma_semaphore, #tpu.memory_space<semaphore_mem>>, %arg11: memref<10240x128xf32, #tpu.memory_space<vmem_shared>>) attributes {dimension_semantics = [#tpu.dimension_semantics<core_parallel>, #tpu.dimension_semantics<subcore_parallel>], iteration_bounds = array<i64: 2, 16>, scalar_prefetch = 0 : i64, scratch_operands = 6 : i64, tpu.core_type = #tpu.core_type<sc_vector_subcore>, window_params = [{transform_indices = #map}, {transform_indices = #map1}, {transform_indices = #map1}, {transform_indices = #map2}]} {
    %mul3A = arith.constant 16 : i32
    %mul3A_0 = arith.muli %arg0, %mul3A : i32
    %add3A = arith.addi %mul3A_0, %arg1 : i32
    %broadcast_in_dim3A = arith.constant 0.000000e+00 : f32
    %broadcast_in_dim3A_1 = vector.broadcast %broadcast_in_dim3A : f32 to vector<16xf32>
    %scan3A = arith.constant 0 : i32
    %scan3A_2 = arith.constant 0 : i32
    %scan3A_3 = arith.constant 128 : i32
    %scan3A_4 = arith.addi %scan3A_2, %scan3A_3 : i32
    %scan3A_5 = arith.constant 1 : i32
    scf.for %scan3A_24 = %scan3A_2 to %scan3A_4 step %scan3A_5  : i32 {
      %swap3A = arith.index_cast %scan3A_24 : i32 to index
      %swap3A_25 = arith.constant 0 : index
      %swap3A_26 = tpu.vector_load %arg9[%swap3A, %swap3A_25] {strides = array<i32>} : memref<128x128xf32, #tpu.memory_space<vmem>>, vector<1x16xf32>,
      %swap3A_27 = vector.shape_cast %swap3A_26 : vector<1x16xf32> to vector<16xf32>
      %swap3A_28 = vector.shape_cast %broadcast_in_dim3A_1 : vector<16xf32> to vector<1x16xf32>
      tpu.vector_store %arg9[%swap3A, %swap3A_25], %swap3A_28 {strides = array<i32>} : memref<128x128xf32, #tpu.memory_space<vmem>>, vector<1x16xf32>,
      %swap3A_29 = arith.index_cast %scan3A_24 : i32 to index
      %swap3A_30 = arith.constant 16 : index
      %swap3A_31 = tpu.vector_load %arg9[%swap3A_29, %swap3A_30] {strides = array<i32>} : memref<128x128xf32, #tpu.memory_space<vmem>>, vector<1x16xf32>,
      %swap3A_32 = vector.shape_cast %swap3A_31 : vector<1x16xf32> to vector<16xf32>
      %swap3A_33 = vector.shape_cast %broadcast_in_dim3A_1 : vector<16xf32> to vector<1x16xf32>
      tpu.vector_store %arg9[%swap3A_29, %swap3A_30], %swap3A_33 {strides = array<i32>} : memref<128x128xf32, #tpu.memory_space<vmem>>, vector<1x16xf32>,
      %swap3A_34 = arith.index_cast %scan3A_24 : i32 to index
      %swap3A_35 = arith.constant 32 : index
      %swap3A_36 = tpu.vector_load %arg9[%swap3A_34, %swap3A_35] {strides = array<i32>} : memref<128x128xf32, #tpu.memory_space<vmem>>, vector<1x16xf32>,
      %swap3A_37 = vector.shape_cast %swap3A_36 : vector<1x16xf32> to vector<16xf32>
      %swap3A_38 = vector.shape_cast %broadcast_in_dim3A_1 : vector<16xf32> to vector<1x16xf32>
      tpu.vector_store %arg9[%swap3A_34, %swap3A_35], %swap3A_38 {strides = array<i32>} : memref<128x128xf32, #tpu.memory_space<vmem>>, vector<1x16xf32>,
      %swap3A_39 = arith.index_cast %scan3A_24 : i32 to index
      %swap3A_40 = arith.constant 48 : index
      %swap3A_41 = tpu.vector_load %arg9[%swap3A_39, %swap3A_40] {strides = array<i32>} : memref<128x128xf32, #tpu.memory_space<vmem>>, vector<1x16xf32>,
      %swap3A_42 = vector.shape_cast %swap3A_41 : vector<1x16xf32> to vector<16xf32>
      %swap3A_43 = vector.shape_cast %broadcast_in_dim3A_1 : vector<16xf32> to vector<1x16xf32>
      tpu.vector_store %arg9[%swap3A_39, %swap3A_40], %swap3A_43 {strides = array<i32>} : memref<128x128xf32, #tpu.memory_space<vmem>>, vector<1x16xf32>,
      %swap3A_44 = arith.index_cast %scan3A_24 : i32 to index
      %swap3A_45 = arith.constant 64 : index
      %swap3A_46 = tpu.vector_load %arg9[%swap3A_44, %swap3A_45] {strides = array<i32>} : memref<128x128xf32, #tpu.memory_space<vmem>>, vector<1x16xf32>,
      %swap3A_47 = vector.shape_cast %swap3A_46 : vector<1x16xf32> to vector<16xf32>
      %swap3A_48 = vector.shape_cast %broadcast_in_dim3A_1 : vector<16xf32> to vector<1x16xf32>
      tpu.vector_store %arg9[%swap3A_44, %swap3A_45], %swap3A_48 {strides = array<i32>} : memref<128x128xf32, #tpu.memory_space<vmem>>, vector<1x16xf32>,
      %swap3A_49 = arith.index_cast %scan3A_24 : i32 to index
      %swap3A_50 = arith.constant 80 : index
      %swap3A_51 = tpu.vector_load %arg9[%swap3A_49, %swap3A_50] {strides = array<i32>} : memref<128x128xf32, #tpu.memory_space<vmem>>, vector<1x16xf32>,
      %swap3A_52 = vector.shape_cast %swap3A_51 : vector<1x16xf32> to vector<16xf32>
      %swap3A_53 = vector.shape_cast %broadcast_in_dim3A_1 : vector<16xf32> to vector<1x16xf32>
      tpu.vector_store %arg9[%swap3A_49, %swap3A_50], %swap3A_53 {strides = array<i32>} : memref<128x128xf32, #tpu.memory_space<vmem>>, vector<1x16xf32>,
      %swap3A_54 = arith.index_cast %scan3A_24 : i32 to index
      %swap3A_55 = arith.constant 96 : index
      %swap3A_56 = tpu.vector_load %arg9[%swap3A_54, %swap3A_55] {strides = array<i32>} : memref<128x128xf32, #tpu.memory_space<vmem>>, vector<1x16xf32>,
      %swap3A_57 = vector.shape_cast %swap3A_56 : vector<1x16xf32> to vector<16xf32>
      %swap3A_58 = vector.shape_cast %broadcast_in_dim3A_1 : vector<16xf32> to vector<1x16xf32>
      tpu.vector_store %arg9[%swap3A_54, %swap3A_55], %swap3A_58 {strides = array<i32>} : memref<128x128xf32, #tpu.memory_space<vmem>>, vector<1x16xf32>,
      %swap3A_59 = arith.index_cast %scan3A_24 : i32 to index
      %swap3A_60 = arith.constant 112 : index
      %swap3A_61 = tpu.vector_load %arg9[%swap3A_59, %swap3A_60] {strides = array<i32>} : memref<128x128xf32, #tpu.memory_space<vmem>>, vector<1x16xf32>,
      %swap3A_62 = vector.shape_cast %swap3A_61 : vector<1x16xf32> to vector<16xf32>
      %swap3A_63 = vector.shape_cast %broadcast_in_dim3A_1 : vector<16xf32> to vector<1x16xf32>
      tpu.vector_store %arg9[%swap3A_59, %swap3A_60], %swap3A_63 {strides = array<i32>} : memref<128x128xf32, #tpu.memory_space<vmem>>, vector<1x16xf32>,
    }
    %scan3A_6 = arith.constant 128 : i32
    %scan3A_7 = arith.constant 0 : i32
    %scan3A_8 = arith.constant 0 : i32
    %scan3A_9 = arith.constant 5 : i32
    %scan3A_10 = arith.addi %scan3A_8, %scan3A_9 : i32
    %scan3A_11 = arith.constant 1 : i32
    scf.for %scan3A_24 = %scan3A_8 to %scan3A_10 step %scan3A_11  : i32 {
      %mul3A_25 = arith.constant 640 : i32
      %mul3A_26 = arith.muli %arg1, %mul3A_25 : i32
      %mul3A_27 = arith.constant 128 : i32
      %mul3A_28 = arith.muli %scan3A_24, %mul3A_27 : i32
      %add3A_29 = arith.addi %mul3A_26, %mul3A_28 : i32
      "tpu.region"() ({
        %run_scoped3A = tpu.sem_alloc : memref<!tpu.dma_semaphore, #tpu.memory_space<semaphore_mem>>
        %dma_start3A = arith.constant 0 : i32
        %dma_start3A_30 = tpu.memref_slice %arg11[%add3A_29, %dma_start3A] : memref<10240x128xf32, #tpu.memory_space<vmem_shared>> -> memref<128x128xf32, #tpu.memory_space<vmem_shared>>
        %dma_start3A_31 = arith.constant 0 : i32
        %dma_start3A_32 = tpu.memref_slice %arg11[%add3A_29, %dma_start3A_31] : memref<10240x128xf32, #tpu.memory_space<vmem_shared>> -> memref<128x128xf32, #tpu.memory_space<vmem_shared>>
        tpu.enqueue_dma source(%arg9 : memref<128x128xf32, #tpu.memory_space<vmem>>) target(%dma_start3A_32 : memref<128x128xf32, #tpu.memory_space<vmem_shared>>) target_semaphore(%run_scoped3A : memref<!tpu.dma_semaphore, #tpu.memory_space<semaphore_mem>>)
        %dma_wait3A = arith.constant 0 : i32
        %dma_wait3A_33 = tpu.memref_slice %arg11[%add3A_29, %dma_wait3A] : memref<10240x128xf32, #tpu.memory_space<vmem_shared>> -> memref<128x128xf32, #tpu.memory_space<vmem_shared>>
        %dma_wait3A_34 = arith.constant 0 : i32
        %dma_wait3A_35 = tpu.memref_slice %arg11[%add3A_29, %dma_wait3A_34] : memref<10240x128xf32, #tpu.memory_space<vmem_shared>> -> memref<128x128xf32, #tpu.memory_space<vmem_shared>>
        tpu.wait_dma2 semaphore(%run_scoped3A : memref<!tpu.dma_semaphore, #tpu.memory_space<semaphore_mem>>) src(%arg9 : memref<128x128xf32, #tpu.memory_space<vmem>>) dst(%dma_wait3A_35 : memref<128x128xf32, #tpu.memory_space<vmem_shared>>)
        tpu.yield
      }) : () -> ()
    }
    %scan3A_12 = arith.constant 5 : i32
    %barrier3A = arith.constant 0 : index
    tpu.barrier barrier_id(%barrier3A)
    %scan3A_13 = arith.constant 0 : i32
    %scan3A_14 = arith.constant 0 : i32
    %scan3A_15 = arith.constant 79 : i32
    %scan3A_16 = arith.addi %scan3A_14, %scan3A_15 : i32
    %scan3A_17 = arith.constant 1 : i32
    scf.for %scan3A_24 = %scan3A_14 to %scan3A_16 step %scan3A_17  : i32 {
      %mul3A_25 = arith.constant 10112 : i32
      %mul3A_26 = arith.muli %add3A, %mul3A_25 : i32
      %mul3A_27 = arith.constant 128 : i32
      %mul3A_28 = arith.muli %scan3A_24, %mul3A_27 : i32
      %add3A_29 = arith.addi %mul3A_26, %mul3A_28 : i32
      "tpu.region"() ({
        %run_scoped3A = tpu.sem_alloc : memref<!tpu.dma_semaphore, #tpu.memory_space<semaphore_mem>>
        %dma_start3A_34 = tpu.memref_slice %arg3[%add3A_29] : memref<323584xi32, #tpu.memory_space<hbm>> -> memref<128xi32, #tpu.memory_space<hbm>>
        %dma_start3A_35 = tpu.memref_slice %arg3[%add3A_29] : memref<323584xi32, #tpu.memory_space<hbm>> -> memref<128xi32, #tpu.memory_space<hbm>>
        tpu.enqueue_dma source(%dma_start3A_35 : memref<128xi32, #tpu.memory_space<hbm>>) target(%arg6 : memref<128xi32, #tpu.memory_space<vmem>>) target_semaphore(%run_scoped3A : memref<!tpu.dma_semaphore, #tpu.memory_space<semaphore_mem>>)
        %dma_wait3A_36 = tpu.memref_slice %arg3[%add3A_29] : memref<323584xi32, #tpu.memory_space<hbm>> -> memref<128xi32, #tpu.memory_space<hbm>>
        %dma_wait3A_37 = tpu.memref_slice %arg3[%add3A_29] : memref<323584xi32, #tpu.memory_space<hbm>> -> memref<128xi32, #tpu.memory_space<hbm>>
        tpu.wait_dma2 semaphore(%run_scoped3A : memref<!tpu.dma_semaphore, #tpu.memory_space<semaphore_mem>>) src(%dma_wait3A_37 : memref<128xi32, #tpu.memory_space<hbm>>) dst(%arg6 : memref<128xi32, #tpu.memory_space<vmem>>)
        tpu.yield
      }) : () -> ()
      "tpu.region"() ({
        %run_scoped3A = tpu.sem_alloc : memref<!tpu.dma_semaphore, #tpu.memory_space<semaphore_mem>>
        %dma_start3A_34 = tpu.memref_slice %arg4[%add3A_29] : memref<323584xi32, #tpu.memory_space<hbm>> -> memref<128xi32, #tpu.memory_space<hbm>>
        %dma_start3A_35 = tpu.memref_slice %arg4[%add3A_29] : memref<323584xi32, #tpu.memory_space<hbm>> -> memref<128xi32, #tpu.memory_space<hbm>>
        tpu.enqueue_dma source(%dma_start3A_35 : memref<128xi32, #tpu.memory_space<hbm>>) target(%arg7 : memref<128xi32, #tpu.memory_space<vmem>>) target_semaphore(%run_scoped3A : memref<!tpu.dma_semaphore, #tpu.memory_space<semaphore_mem>>)
        %dma_wait3A_36 = tpu.memref_slice %arg4[%add3A_29] : memref<323584xi32, #tpu.memory_space<hbm>> -> memref<128xi32, #tpu.memory_space<hbm>>
        %dma_wait3A_37 = tpu.memref_slice %arg4[%add3A_29] : memref<323584xi32, #tpu.memory_space<hbm>> -> memref<128xi32, #tpu.memory_space<hbm>>
        tpu.wait_dma2 semaphore(%run_scoped3A : memref<!tpu.dma_semaphore, #tpu.memory_space<semaphore_mem>>) src(%dma_wait3A_37 : memref<128xi32, #tpu.memory_space<hbm>>) dst(%arg7 : memref<128xi32, #tpu.memory_space<vmem>>)
        tpu.yield
      }) : () -> ()
      %dma_start3A = arith.constant 0 : i32
      %dma_start3A_30 = arith.constant 0 : i32
      %dma_start3A_31 = tpu.memref_slice %arg2[%dma_start3A, %dma_start3A_30] : memref<10240x128xf32, #tpu.memory_space<hbm>> -> memref<10240x128xf32, #tpu.memory_space<hbm>>
      tpu.enqueue_indirect_dma source(%dma_start3A_31 : memref<10240x128xf32, #tpu.memory_space<hbm>>) target(%arg8 : memref<128x128xf32, #tpu.memory_space<vmem>>) offsets(%arg6 : memref<128xi32, #tpu.memory_space<vmem>>) semaphore(%arg10 : memref<!tpu.dma_semaphore, #tpu.memory_space<semaphore_mem>>)
      %dma_wait3A = arith.constant 0 : i32
      %dma_wait3A_32 = arith.constant 0 : i32
      %dma_wait3A_33 = tpu.memref_slice %arg2[%dma_wait3A, %dma_wait3A_32] : memref<10240x128xf32, #tpu.memory_space<hbm>> -> memref<10240x128xf32, #tpu.memory_space<hbm>>
      tpu.wait_indirect_dma semaphore(%arg10 : memref<!tpu.dma_semaphore, #tpu.memory_space<semaphore_mem>>) src(%dma_wait3A_33 : memref<10240x128xf32, #tpu.memory_space<hbm>>) dst(%arg8 : memref<128x128xf32, #tpu.memory_space<vmem>>)
      "tpu.region"() ({
        %run_scoped3A = tpu.sem_alloc : memref<!tpu.dma_semaphore, #tpu.memory_space<semaphore_mem>>
        %dma_start3A_34 = arith.constant 0 : i32
        %dma_start3A_35 = arith.constant 0 : i32
        %dma_start3A_36 = tpu.memref_slice %arg11[%dma_start3A_34, %dma_start3A_35] : memref<10240x128xf32, #tpu.memory_space<vmem_shared>> -> memref<10240x128xf32, #tpu.memory_space<vmem_shared>>
        tpu.enqueue_indirect_dma source(%arg8 : memref<128x128xf32, #tpu.memory_space<vmem>>) target(%dma_start3A_36 : memref<10240x128xf32, #tpu.memory_space<vmem_shared>>) offsets(%arg7 : memref<128xi32, #tpu.memory_space<vmem>>) semaphore(%run_scoped3A : memref<!tpu.dma_semaphore, #tpu.memory_space<semaphore_mem>>) {add = true}
        %dma_wait3A_37 = arith.constant 0 : i32
        %dma_wait3A_38 = arith.constant 0 : i32
        %dma_wait3A_39 = tpu.memref_slice %arg11[%dma_wait3A_37, %dma_wait3A_38] : memref<10240x128xf32, #tpu.memory_space<vmem_shared>> -> memref<10240x128xf32, #tpu.memory_space<vmem_shared>>
        tpu.wait_indirect_dma semaphore(%run_scoped3A : memref<!tpu.dma_semaphore, #tpu.memory_space<semaphore_mem>>) src(%arg8 : memref<128x128xf32, #tpu.memory_space<vmem>>) dst(%dma_wait3A_39 : memref<10240x128xf32, #tpu.memory_space<vmem_shared>>)
        tpu.yield
      }) : () -> ()
    }
    %scan3A_18 = arith.constant 79 : i32
    %barrier3A_19 = arith.constant 0 : index
    tpu.barrier barrier_id(%barrier3A_19)
    %mul3A_20 = arith.constant 640 : i32
    %mul3A_21 = arith.muli %arg1, %mul3A_20 : i32
    %mul3A_22 = arith.constant 640 : i32
    %mul3A_23 = arith.muli %arg1, %mul3A_22 : i32
    "tpu.region"() ({
      %run_scoped3A = tpu.sem_alloc : memref<!tpu.dma_semaphore, #tpu.memory_space<semaphore_mem>>
      %dma_start3A = arith.constant 0 : i32
      %dma_start3A_24 = tpu.memref_slice %arg5[%arg0, %mul3A_23, %dma_start3A] : memref<2x10240x128xf32, #tpu.memory_space<hbm>> -> memref<1x640x128xf32, #tpu.memory_space<hbm>>
      %dma_start3A_25 = tpu.memref_squeeze %dma_start3A_24 : memref<1x640x128xf32, #tpu.memory_space<hbm>> -> memref<640x128xf32, #tpu.memory_space<hbm>>
      %dma_start3A_26 = arith.constant 0 : i32
      %dma_start3A_27 = tpu.memref_slice %arg11[%mul3A_21, %dma_start3A_26] : memref<10240x128xf32, #tpu.memory_space<vmem_shared>> -> memref<640x128xf32, #tpu.memory_space<vmem_shared>>
      tpu.enqueue_dma source(%dma_start3A_27 : memref<640x128xf32, #tpu.memory_space<vmem_shared>>) target(%dma_start3A_25 : memref<640x128xf32, #tpu.memory_space<hbm>>) target_semaphore(%run_scoped3A : memref<!tpu.dma_semaphore, #tpu.memory_space<semaphore_mem>>)
      %dma_wait3A = arith.constant 0 : i32
      %dma_wait3A_28 = tpu.memref_slice %arg5[%arg0, %mul3A_23, %dma_wait3A] : memref<2x10240x128xf32, #tpu.memory_space<hbm>> -> memref<1x640x128xf32, #tpu.memory_space<hbm>>
      %dma_wait3A_29 = tpu.memref_squeeze %dma_wait3A_28 : memref<1x640x128xf32, #tpu.memory_space<hbm>> -> memref<640x128xf32, #tpu.memory_space<hbm>>
      %dma_wait3A_30 = arith.constant 0 : i32
      %dma_wait3A_31 = tpu.memref_slice %arg11[%mul3A_21, %dma_wait3A_30] : memref<10240x128xf32, #tpu.memory_space<vmem_shared>> -> memref<640x128xf32, #tpu.memory_space<vmem_shared>>
      tpu.wait_dma2 semaphore(%run_scoped3A : memref<!tpu.dma_semaphore, #tpu.memory_space<semaphore_mem>>) src(%dma_wait3A_31 : memref<640x128xf32, #tpu.memory_space<vmem_shared>>) dst(%dma_wait3A_29 : memref<640x128xf32, #tpu.memory_space<hbm>>)
      tpu.yield
    }) : () -> ()
    return
  }
}

#map = affine_map<(d0, d1) -> (0)>
#map1 = affine_map<(d0, d1) -> (0, 0, 0)>
module attributes {stable_mosaic.version = 14 : i64} {
  func.func @deg_kernel(%arg0: i32, %arg1: i32, %arg2: memref<323584xi32, #tpu.memory_space<hbm>>, %arg3: memref<2x10240x128xf32, #tpu.memory_space<hbm>>, %arg4: memref<128xi32, #tpu.memory_space<vmem>>, %arg5: memref<128x128xf32, #tpu.memory_space<vmem>>, %arg6: memref<10240x128xf32, #tpu.memory_space<vmem_shared>>) attributes {dimension_semantics = [#tpu.dimension_semantics<core_parallel>, #tpu.dimension_semantics<subcore_parallel>], iteration_bounds = array<i64: 2, 16>, scalar_prefetch = 0 : i64, scratch_operands = 3 : i64, tpu.core_type = #tpu.core_type<sc_vector_subcore>, window_params = [{transform_indices = #map}, {transform_indices = #map1}]} {
    %mul3A = arith.constant 16 : i32
    %mul3A_0 = arith.muli %arg0, %mul3A : i32
    %add3A = arith.addi %mul3A_0, %arg1 : i32
    %broadcast_in_dim3A = arith.constant 0.000000e+00 : f32
    %broadcast_in_dim3A_1 = vector.broadcast %broadcast_in_dim3A : f32 to vector<16xf32>
    %scan3A = arith.constant 0 : i32
    %scan3A_2 = arith.constant 0 : i32
    %scan3A_3 = arith.constant 128 : i32
    %scan3A_4 = arith.addi %scan3A_2, %scan3A_3 : i32
    %scan3A_5 = arith.constant 1 : i32
    scf.for %scan3A_32 = %scan3A_2 to %scan3A_4 step %scan3A_5  : i32 {
      %swap3A = arith.index_cast %scan3A_32 : i32 to index
      %swap3A_33 = arith.constant 0 : index
      %swap3A_34 = tpu.vector_load %arg5[%swap3A, %swap3A_33] {strides = array<i32>} : memref<128x128xf32, #tpu.memory_space<vmem>>, vector<1x16xf32>,
      %swap3A_35 = vector.shape_cast %swap3A_34 : vector<1x16xf32> to vector<16xf32>
      %swap3A_36 = vector.shape_cast %broadcast_in_dim3A_1 : vector<16xf32> to vector<1x16xf32>
      tpu.vector_store %arg5[%swap3A, %swap3A_33], %swap3A_36 {strides = array<i32>} : memref<128x128xf32, #tpu.memory_space<vmem>>, vector<1x16xf32>,
      %swap3A_37 = arith.index_cast %scan3A_32 : i32 to index
      %swap3A_38 = arith.constant 16 : index
      %swap3A_39 = tpu.vector_load %arg5[%swap3A_37, %swap3A_38] {strides = array<i32>} : memref<128x128xf32, #tpu.memory_space<vmem>>, vector<1x16xf32>,
      %swap3A_40 = vector.shape_cast %swap3A_39 : vector<1x16xf32> to vector<16xf32>
      %swap3A_41 = vector.shape_cast %broadcast_in_dim3A_1 : vector<16xf32> to vector<1x16xf32>
      tpu.vector_store %arg5[%swap3A_37, %swap3A_38], %swap3A_41 {strides = array<i32>} : memref<128x128xf32, #tpu.memory_space<vmem>>, vector<1x16xf32>,
      %swap3A_42 = arith.index_cast %scan3A_32 : i32 to index
      %swap3A_43 = arith.constant 32 : index
      %swap3A_44 = tpu.vector_load %arg5[%swap3A_42, %swap3A_43] {strides = array<i32>} : memref<128x128xf32, #tpu.memory_space<vmem>>, vector<1x16xf32>,
      %swap3A_45 = vector.shape_cast %swap3A_44 : vector<1x16xf32> to vector<16xf32>
      %swap3A_46 = vector.shape_cast %broadcast_in_dim3A_1 : vector<16xf32> to vector<1x16xf32>
      tpu.vector_store %arg5[%swap3A_42, %swap3A_43], %swap3A_46 {strides = array<i32>} : memref<128x128xf32, #tpu.memory_space<vmem>>, vector<1x16xf32>,
      %swap3A_47 = arith.index_cast %scan3A_32 : i32 to index
      %swap3A_48 = arith.constant 48 : index
      %swap3A_49 = tpu.vector_load %arg5[%swap3A_47, %swap3A_48] {strides = array<i32>} : memref<128x128xf32, #tpu.memory_space<vmem>>, vector<1x16xf32>,
      %swap3A_50 = vector.shape_cast %swap3A_49 : vector<1x16xf32> to vector<16xf32>
      %swap3A_51 = vector.shape_cast %broadcast_in_dim3A_1 : vector<16xf32> to vector<1x16xf32>
      tpu.vector_store %arg5[%swap3A_47, %swap3A_48], %swap3A_51 {strides = array<i32>} : memref<128x128xf32, #tpu.memory_space<vmem>>, vector<1x16xf32>,
      %swap3A_52 = arith.index_cast %scan3A_32 : i32 to index
      %swap3A_53 = arith.constant 64 : index
      %swap3A_54 = tpu.vector_load %arg5[%swap3A_52, %swap3A_53] {strides = array<i32>} : memref<128x128xf32, #tpu.memory_space<vmem>>, vector<1x16xf32>,
      %swap3A_55 = vector.shape_cast %swap3A_54 : vector<1x16xf32> to vector<16xf32>
      %swap3A_56 = vector.shape_cast %broadcast_in_dim3A_1 : vector<16xf32> to vector<1x16xf32>
      tpu.vector_store %arg5[%swap3A_52, %swap3A_53], %swap3A_56 {strides = array<i32>} : memref<128x128xf32, #tpu.memory_space<vmem>>, vector<1x16xf32>,
      %swap3A_57 = arith.index_cast %scan3A_32 : i32 to index
      %swap3A_58 = arith.constant 80 : index
      %swap3A_59 = tpu.vector_load %arg5[%swap3A_57, %swap3A_58] {strides = array<i32>} : memref<128x128xf32, #tpu.memory_space<vmem>>, vector<1x16xf32>,
      %swap3A_60 = vector.shape_cast %swap3A_59 : vector<1x16xf32> to vector<16xf32>
      %swap3A_61 = vector.shape_cast %broadcast_in_dim3A_1 : vector<16xf32> to vector<1x16xf32>
      tpu.vector_store %arg5[%swap3A_57, %swap3A_58], %swap3A_61 {strides = array<i32>} : memref<128x128xf32, #tpu.memory_space<vmem>>, vector<1x16xf32>,
      %swap3A_62 = arith.index_cast %scan3A_32 : i32 to index
      %swap3A_63 = arith.constant 96 : index
      %swap3A_64 = tpu.vector_load %arg5[%swap3A_62, %swap3A_63] {strides = array<i32>} : memref<128x128xf32, #tpu.memory_space<vmem>>, vector<1x16xf32>,
      %swap3A_65 = vector.shape_cast %swap3A_64 : vector<1x16xf32> to vector<16xf32>
      %swap3A_66 = vector.shape_cast %broadcast_in_dim3A_1 : vector<16xf32> to vector<1x16xf32>
      tpu.vector_store %arg5[%swap3A_62, %swap3A_63], %swap3A_66 {strides = array<i32>} : memref<128x128xf32, #tpu.memory_space<vmem>>, vector<1x16xf32>,
      %swap3A_67 = arith.index_cast %scan3A_32 : i32 to index
      %swap3A_68 = arith.constant 112 : index
      %swap3A_69 = tpu.vector_load %arg5[%swap3A_67, %swap3A_68] {strides = array<i32>} : memref<128x128xf32, #tpu.memory_space<vmem>>, vector<1x16xf32>,
      %swap3A_70 = vector.shape_cast %swap3A_69 : vector<1x16xf32> to vector<16xf32>
      %swap3A_71 = vector.shape_cast %broadcast_in_dim3A_1 : vector<16xf32> to vector<1x16xf32>
      tpu.vector_store %arg5[%swap3A_67, %swap3A_68], %swap3A_71 {strides = array<i32>} : memref<128x128xf32, #tpu.memory_space<vmem>>, vector<1x16xf32>,
    }
    %scan3A_6 = arith.constant 128 : i32
    %scan3A_7 = arith.constant 0 : i32
    %scan3A_8 = arith.constant 0 : i32
    %scan3A_9 = arith.constant 5 : i32
    %scan3A_10 = arith.addi %scan3A_8, %scan3A_9 : i32
    %scan3A_11 = arith.constant 1 : i32
    scf.for %scan3A_32 = %scan3A_8 to %scan3A_10 step %scan3A_11  : i32 {
      %mul3A_33 = arith.constant 640 : i32
      %mul3A_34 = arith.muli %arg1, %mul3A_33 : i32
      %mul3A_35 = arith.constant 128 : i32
      %mul3A_36 = arith.muli %scan3A_32, %mul3A_35 : i32
      %add3A_37 = arith.addi %mul3A_34, %mul3A_36 : i32
      "tpu.region"() ({
        %run_scoped3A = tpu.sem_alloc : memref<!tpu.dma_semaphore, #tpu.memory_space<semaphore_mem>>
        %dma_start3A = arith.constant 0 : i32
        %dma_start3A_38 = tpu.memref_slice %arg6[%add3A_37, %dma_start3A] : memref<10240x128xf32, #tpu.memory_space<vmem_shared>> -> memref<128x128xf32, #tpu.memory_space<vmem_shared>>
        %dma_start3A_39 = arith.constant 0 : i32
        %dma_start3A_40 = tpu.memref_slice %arg6[%add3A_37, %dma_start3A_39] : memref<10240x128xf32, #tpu.memory_space<vmem_shared>> -> memref<128x128xf32, #tpu.memory_space<vmem_shared>>
        tpu.enqueue_dma source(%arg5 : memref<128x128xf32, #tpu.memory_space<vmem>>) target(%dma_start3A_40 : memref<128x128xf32, #tpu.memory_space<vmem_shared>>) target_semaphore(%run_scoped3A : memref<!tpu.dma_semaphore, #tpu.memory_space<semaphore_mem>>)
        %dma_wait3A = arith.constant 0 : i32
        %dma_wait3A_41 = tpu.memref_slice %arg6[%add3A_37, %dma_wait3A] : memref<10240x128xf32, #tpu.memory_space<vmem_shared>> -> memref<128x128xf32, #tpu.memory_space<vmem_shared>>
        %dma_wait3A_42 = arith.constant 0 : i32
        %dma_wait3A_43 = tpu.memref_slice %arg6[%add3A_37, %dma_wait3A_42] : memref<10240x128xf32, #tpu.memory_space<vmem_shared>> -> memref<128x128xf32, #tpu.memory_space<vmem_shared>>
        tpu.wait_dma2 semaphore(%run_scoped3A : memref<!tpu.dma_semaphore, #tpu.memory_space<semaphore_mem>>) src(%arg5 : memref<128x128xf32, #tpu.memory_space<vmem>>) dst(%dma_wait3A_43 : memref<128x128xf32, #tpu.memory_space<vmem_shared>>)
        tpu.yield
      }) : () -> ()
    }
    %scan3A_12 = arith.constant 5 : i32
    %broadcast_in_dim3A_13 = arith.constant 1.000000e+00 : f32
    %broadcast_in_dim3A_14 = vector.broadcast %broadcast_in_dim3A_13 : f32 to vector<16xf32>
    %scan3A_15 = arith.constant 0 : i32
    %scan3A_16 = arith.constant 0 : i32
    %scan3A_17 = arith.constant 128 : i32
    %scan3A_18 = arith.addi %scan3A_16, %scan3A_17 : i32
    %scan3A_19 = arith.constant 1 : i32
    scf.for %scan3A_32 = %scan3A_16 to %scan3A_18 step %scan3A_19  : i32 {
      %swap3A = arith.index_cast %scan3A_32 : i32 to index
      %swap3A_33 = arith.constant 0 : index
      %swap3A_34 = tpu.vector_load %arg5[%swap3A, %swap3A_33] {strides = array<i32>} : memref<128x128xf32, #tpu.memory_space<vmem>>, vector<1x16xf32>,
      %swap3A_35 = vector.shape_cast %swap3A_34 : vector<1x16xf32> to vector<16xf32>
      %swap3A_36 = vector.shape_cast %broadcast_in_dim3A_14 : vector<16xf32> to vector<1x16xf32>
      tpu.vector_store %arg5[%swap3A, %swap3A_33], %swap3A_36 {strides = array<i32>} : memref<128x128xf32, #tpu.memory_space<vmem>>, vector<1x16xf32>,
      %swap3A_37 = arith.index_cast %scan3A_32 : i32 to index
      %swap3A_38 = arith.constant 16 : index
      %swap3A_39 = tpu.vector_load %arg5[%swap3A_37, %swap3A_38] {strides = array<i32>} : memref<128x128xf32, #tpu.memory_space<vmem>>, vector<1x16xf32>,
      %swap3A_40 = vector.shape_cast %swap3A_39 : vector<1x16xf32> to vector<16xf32>
      %swap3A_41 = vector.shape_cast %broadcast_in_dim3A_14 : vector<16xf32> to vector<1x16xf32>
      tpu.vector_store %arg5[%swap3A_37, %swap3A_38], %swap3A_41 {strides = array<i32>} : memref<128x128xf32, #tpu.memory_space<vmem>>, vector<1x16xf32>,
      %swap3A_42 = arith.index_cast %scan3A_32 : i32 to index
      %swap3A_43 = arith.constant 32 : index
      %swap3A_44 = tpu.vector_load %arg5[%swap3A_42, %swap3A_43] {strides = array<i32>} : memref<128x128xf32, #tpu.memory_space<vmem>>, vector<1x16xf32>,
      %swap3A_45 = vector.shape_cast %swap3A_44 : vector<1x16xf32> to vector<16xf32>
      %swap3A_46 = vector.shape_cast %broadcast_in_dim3A_14 : vector<16xf32> to vector<1x16xf32>
      tpu.vector_store %arg5[%swap3A_42, %swap3A_43], %swap3A_46 {strides = array<i32>} : memref<128x128xf32, #tpu.memory_space<vmem>>, vector<1x16xf32>,
      %swap3A_47 = arith.index_cast %scan3A_32 : i32 to index
      %swap3A_48 = arith.constant 48 : index
      %swap3A_49 = tpu.vector_load %arg5[%swap3A_47, %swap3A_48] {strides = array<i32>} : memref<128x128xf32, #tpu.memory_space<vmem>>, vector<1x16xf32>,
      %swap3A_50 = vector.shape_cast %swap3A_49 : vector<1x16xf32> to vector<16xf32>
      %swap3A_51 = vector.shape_cast %broadcast_in_dim3A_14 : vector<16xf32> to vector<1x16xf32>
      tpu.vector_store %arg5[%swap3A_47, %swap3A_48], %swap3A_51 {strides = array<i32>} : memref<128x128xf32, #tpu.memory_space<vmem>>, vector<1x16xf32>,
      %swap3A_52 = arith.index_cast %scan3A_32 : i32 to index
      %swap3A_53 = arith.constant 64 : index
      %swap3A_54 = tpu.vector_load %arg5[%swap3A_52, %swap3A_53] {strides = array<i32>} : memref<128x128xf32, #tpu.memory_space<vmem>>, vector<1x16xf32>,
      %swap3A_55 = vector.shape_cast %swap3A_54 : vector<1x16xf32> to vector<16xf32>
      %swap3A_56 = vector.shape_cast %broadcast_in_dim3A_14 : vector<16xf32> to vector<1x16xf32>
      tpu.vector_store %arg5[%swap3A_52, %swap3A_53], %swap3A_56 {strides = array<i32>} : memref<128x128xf32, #tpu.memory_space<vmem>>, vector<1x16xf32>,
      %swap3A_57 = arith.index_cast %scan3A_32 : i32 to index
      %swap3A_58 = arith.constant 80 : index
      %swap3A_59 = tpu.vector_load %arg5[%swap3A_57, %swap3A_58] {strides = array<i32>} : memref<128x128xf32, #tpu.memory_space<vmem>>, vector<1x16xf32>,
      %swap3A_60 = vector.shape_cast %swap3A_59 : vector<1x16xf32> to vector<16xf32>
      %swap3A_61 = vector.shape_cast %broadcast_in_dim3A_14 : vector<16xf32> to vector<1x16xf32>
      tpu.vector_store %arg5[%swap3A_57, %swap3A_58], %swap3A_61 {strides = array<i32>} : memref<128x128xf32, #tpu.memory_space<vmem>>, vector<1x16xf32>,
      %swap3A_62 = arith.index_cast %scan3A_32 : i32 to index
      %swap3A_63 = arith.constant 96 : index
      %swap3A_64 = tpu.vector_load %arg5[%swap3A_62, %swap3A_63] {strides = array<i32>} : memref<128x128xf32, #tpu.memory_space<vmem>>, vector<1x16xf32>,
      %swap3A_65 = vector.shape_cast %swap3A_64 : vector<1x16xf32> to vector<16xf32>
      %swap3A_66 = vector.shape_cast %broadcast_in_dim3A_14 : vector<16xf32> to vector<1x16xf32>
      tpu.vector_store %arg5[%swap3A_62, %swap3A_63], %swap3A_66 {strides = array<i32>} : memref<128x128xf32, #tpu.memory_space<vmem>>, vector<1x16xf32>,
      %swap3A_67 = arith.index_cast %scan3A_32 : i32 to index
      %swap3A_68 = arith.constant 112 : index
      %swap3A_69 = tpu.vector_load %arg5[%swap3A_67, %swap3A_68] {strides = array<i32>} : memref<128x128xf32, #tpu.memory_space<vmem>>, vector<1x16xf32>,
      %swap3A_70 = vector.shape_cast %swap3A_69 : vector<1x16xf32> to vector<16xf32>
      %swap3A_71 = vector.shape_cast %broadcast_in_dim3A_14 : vector<16xf32> to vector<1x16xf32>
      tpu.vector_store %arg5[%swap3A_67, %swap3A_68], %swap3A_71 {strides = array<i32>} : memref<128x128xf32, #tpu.memory_space<vmem>>, vector<1x16xf32>,
    }
    %scan3A_20 = arith.constant 128 : i32
    %barrier3A = arith.constant 0 : index
    tpu.barrier barrier_id(%barrier3A)
    %scan3A_21 = arith.constant 0 : i32
    %scan3A_22 = arith.constant 0 : i32
    %scan3A_23 = arith.constant 79 : i32
    %scan3A_24 = arith.addi %scan3A_22, %scan3A_23 : i32
    %scan3A_25 = arith.constant 1 : i32
    scf.for %scan3A_32 = %scan3A_22 to %scan3A_24 step %scan3A_25  : i32 {
      %mul3A_33 = arith.constant 10112 : i32
      %mul3A_34 = arith.muli %add3A, %mul3A_33 : i32
      %mul3A_35 = arith.constant 128 : i32
      %mul3A_36 = arith.muli %scan3A_32, %mul3A_35 : i32
      %add3A_37 = arith.addi %mul3A_34, %mul3A_36 : i32
      "tpu.region"() ({
        %run_scoped3A = tpu.sem_alloc : memref<!tpu.dma_semaphore, #tpu.memory_space<semaphore_mem>>
        %dma_start3A = tpu.memref_slice %arg2[%add3A_37] : memref<323584xi32, #tpu.memory_space<hbm>> -> memref<128xi32, #tpu.memory_space<hbm>>
        %dma_start3A_38 = tpu.memref_slice %arg2[%add3A_37] : memref<323584xi32, #tpu.memory_space<hbm>> -> memref<128xi32, #tpu.memory_space<hbm>>
        tpu.enqueue_dma source(%dma_start3A_38 : memref<128xi32, #tpu.memory_space<hbm>>) target(%arg4 : memref<128xi32, #tpu.memory_space<vmem>>) target_semaphore(%run_scoped3A : memref<!tpu.dma_semaphore, #tpu.memory_space<semaphore_mem>>)
        %dma_wait3A = tpu.memref_slice %arg2[%add3A_37] : memref<323584xi32, #tpu.memory_space<hbm>> -> memref<128xi32, #tpu.memory_space<hbm>>
        %dma_wait3A_39 = tpu.memref_slice %arg2[%add3A_37] : memref<323584xi32, #tpu.memory_space<hbm>> -> memref<128xi32, #tpu.memory_space<hbm>>
        tpu.wait_dma2 semaphore(%run_scoped3A : memref<!tpu.dma_semaphore, #tpu.memory_space<semaphore_mem>>) src(%dma_wait3A_39 : memref<128xi32, #tpu.memory_space<hbm>>) dst(%arg4 : memref<128xi32, #tpu.memory_space<vmem>>)
        tpu.yield
      }) : () -> ()
      "tpu.region"() ({
        %run_scoped3A = tpu.sem_alloc : memref<!tpu.dma_semaphore, #tpu.memory_space<semaphore_mem>>
        %dma_start3A = arith.constant 0 : i32
        %dma_start3A_38 = arith.constant 0 : i32
        %dma_start3A_39 = tpu.memref_slice %arg6[%dma_start3A, %dma_start3A_38] : memref<10240x128xf32, #tpu.memory_space<vmem_shared>> -> memref<10240x128xf32, #tpu.memory_space<vmem_shared>>
        tpu.enqueue_indirect_dma source(%arg5 : memref<128x128xf32, #tpu.memory_space<vmem>>) target(%dma_start3A_39 : memref<10240x128xf32, #tpu.memory_space<vmem_shared>>) offsets(%arg4 : memref<128xi32, #tpu.memory_space<vmem>>) semaphore(%run_scoped3A : memref<!tpu.dma_semaphore, #tpu.memory_space<semaphore_mem>>) {add = true}
        %dma_wait3A = arith.constant 0 : i32
        %dma_wait3A_40 = arith.constant 0 : i32
        %dma_wait3A_41 = tpu.memref_slice %arg6[%dma_wait3A, %dma_wait3A_40] : memref<10240x128xf32, #tpu.memory_space<vmem_shared>> -> memref<10240x128xf32, #tpu.memory_space<vmem_shared>>
        tpu.wait_indirect_dma semaphore(%run_scoped3A : memref<!tpu.dma_semaphore, #tpu.memory_space<semaphore_mem>>) src(%arg5 : memref<128x128xf32, #tpu.memory_space<vmem>>) dst(%dma_wait3A_41 : memref<10240x128xf32, #tpu.memory_space<vmem_shared>>)
        tpu.yield
      }) : () -> ()
    }
    %scan3A_26 = arith.constant 79 : i32
    %barrier3A_27 = arith.constant 0 : index
    tpu.barrier barrier_id(%barrier3A_27)
    %mul3A_28 = arith.constant 640 : i32
    %mul3A_29 = arith.muli %arg1, %mul3A_28 : i32
    %mul3A_30 = arith.constant 640 : i32
    %mul3A_31 = arith.muli %arg1, %mul3A_30 : i32
    "tpu.region"() ({
      %run_scoped3A = tpu.sem_alloc : memref<!tpu.dma_semaphore, #tpu.memory_space<semaphore_mem>>
      %dma_start3A = arith.constant 0 : i32
      %dma_start3A_32 = tpu.memref_slice %arg3[%arg0, %mul3A_31, %dma_start3A] : memref<2x10240x128xf32, #tpu.memory_space<hbm>> -> memref<1x640x128xf32, #tpu.memory_space<hbm>>
      %dma_start3A_33 = tpu.memref_squeeze %dma_start3A_32 : memref<1x640x128xf32, #tpu.memory_space<hbm>> -> memref<640x128xf32, #tpu.memory_space<hbm>>
      %dma_start3A_34 = arith.constant 0 : i32
      %dma_start3A_35 = tpu.memref_slice %arg6[%mul3A_29, %dma_start3A_34] : memref<10240x128xf32, #tpu.memory_space<vmem_shared>> -> memref<640x128xf32, #tpu.memory_space<vmem_shared>>
      tpu.enqueue_dma source(%dma_start3A_35 : memref<640x128xf32, #tpu.memory_space<vmem_shared>>) target(%dma_start3A_33 : memref<640x128xf32, #tpu.memory_space<hbm>>) target_semaphore(%run_scoped3A : memref<!tpu.dma_semaphore, #tpu.memory_space<semaphore_mem>>)
      %dma_wait3A = arith.constant 0 : i32
      %dma_wait3A_36 = tpu.memref_slice %arg3[%arg0, %mul3A_31, %dma_wait3A] : memref<2x10240x128xf32, #tpu.memory_space<hbm>> -> memref<1x640x128xf32, #tpu.memory_space<hbm>>
      %dma_wait3A_37 = tpu.memref_squeeze %dma_wait3A_36 : memref<1x640x128xf32, #tpu.memory_space<hbm>> -> memref<640x128xf32, #tpu.memory_space<hbm>>
      %dma_wait3A_38 = arith.constant 0 : i32
      %dma_wait3A_39 = tpu.memref_slice %arg6[%mul3A_29, %dma_wait3A_38] : memref<10240x128xf32, #tpu.memory_space<vmem_shared>> -> memref<640x128xf32, #tpu.memory_space<vmem_shared>>
      tpu.wait_dma2 semaphore(%run_scoped3A : memref<!tpu.dma_semaphore, #tpu.memory_space<semaphore_mem>>) src(%dma_wait3A_39 : memref<640x128xf32, #tpu.memory_space<vmem_shared>>) dst(%dma_wait3A_37 : memref<640x128xf32, #tpu.memory_space<hbm>>)
      tpu.yield
    }) : () -> ()
    return
  }
}

module attributes {stable_mosaic.version = 14 : i64} {
  func.func @_mm_body(%arg0: i32, %arg1: memref<256x128xf32, #tpu.memory_space<vmem>>, %arg2: memref<128x128xf32, #tpu.memory_space<vmem>>, %arg3: memref<256x128xf32, #tpu.memory_space<vmem>>) attributes {dimension_semantics = [#tpu.dimension_semantics<arbitrary>], iteration_bounds = array<i64: 40>, scalar_prefetch = 0 : i64, scratch_operands = 0 : i64, tpu.core_type = #tpu.core_type<tc>, window_params = [{transform_indices = @transform_0, window_bounds = array<i64: 256, 128>}, {pipeline_mode = #tpu.pipeline_mode<synchronous>, transform_indices = @transform_1, window_bounds = array<i64: 128, 128>}, {transform_indices = @transform_2, window_bounds = array<i64: 256, 128>}]} {
    %get3A = arith.constant 0 : index
    %get3A_0 = arith.constant 0 : index
    %get3A_1 = vector.load %arg1[%get3A, %get3A_0] : memref<256x128xf32, #tpu.memory_space<vmem>>, vector<256x128xf32>
    %get3A_2 = arith.constant 0 : index
    %get3A_3 = arith.constant 0 : index
    %get3A_4 = vector.load %arg2[%get3A_2, %get3A_3] : memref<128x128xf32, #tpu.memory_space<vmem>>, vector<128x128xf32>
    %dot_general3A = arith.constant dense<0.000000e+00> : vector<256x128xf32>
    %dot_general3A_5 = tpu.matmul %get3A_1, %get3A_4, %dot_general3A {dimension_numbers = #tpu.dot_dimension_numbers<[1], [0], [0], [1], [0, 0, 1, 1], [], []>, transpose_lhs_hint = false} : vector<256x128xf32>, vector<128x128xf32>, vector<256x128xf32> -> vector<256x128xf32>
    %swap3A = arith.constant 0 : index
    %swap3A_6 = arith.constant 0 : index
    %swap3A_7 = vector.load %arg3[%swap3A, %swap3A_6] : memref<256x128xf32, #tpu.memory_space<vmem>>, vector<256x128xf32>
    tpu.vector_store %arg3[%swap3A, %swap3A_6], %dot_general3A_5 {strides = array<i32>} : memref<256x128xf32, #tpu.memory_space<vmem>>, vector<256x128xf32>,
    return
  }
  func.func @transform_0(%arg0: i32) -> (i32, i32) {
    %c0_i32 = arith.constant 0 : i32
    %c0_i32_0 = arith.constant 0 : i32
    return %arg0, %c0_i32 : i32, i32
  }
  func.func @transform_1(%arg0: i32) -> (i32, i32) {
    %c0_i32 = arith.constant 0 : i32
    %c0_i32_0 = arith.constant 0 : i32
    %c0_i32_1 = arith.constant 0 : i32
    return %c0_i32, %c0_i32_0 : i32, i32
  }
  func.func @transform_2(%arg0: i32) -> (i32, i32) {
    %c0_i32 = arith.constant 0 : i32
    %c0_i32_0 = arith.constant 0 : i32
    return %arg0, %c0_i32 : i32, i32
  }
}

module attributes {stable_mosaic.version = 14 : i64} {
  func.func @_scale_body(%arg0: i32, %arg1: memref<256x128xf32, #tpu.memory_space<vmem>>, %arg2: memref<256x128xf32, #tpu.memory_space<vmem>>, %arg3: memref<256x128xf32, #tpu.memory_space<vmem>>, %arg4: memref<256x128xf32, #tpu.memory_space<vmem>>) attributes {dimension_semantics = [#tpu.dimension_semantics<arbitrary>], iteration_bounds = array<i64: 40>, scalar_prefetch = 0 : i64, scratch_operands = 0 : i64, tpu.core_type = #tpu.core_type<tc>, window_params = [{transform_indices = @transform_0, window_bounds = array<i64: 256, 128>}, {transform_indices = @transform_1, window_bounds = array<i64: 256, 128>}, {transform_indices = @transform_2, window_bounds = array<i64: 256, 128>}, {transform_indices = @transform_3, window_bounds = array<i64: 256, 128>}]} {
    %get3A = arith.constant 0 : index
    %get3A_0 = arith.constant 0 : index
    %get3A_1 = vector.load %arg2[%get3A, %get3A_0] : memref<256x128xf32, #tpu.memory_space<vmem>>, vector<256x1xf32>
    %get3A_2 = arith.constant 0 : index
    %get3A_3 = arith.constant 0 : index
    %get3A_4 = vector.load %arg3[%get3A_2, %get3A_3] : memref<256x128xf32, #tpu.memory_space<vmem>>, vector<256x1xf32>
    %add3A = arith.addf %get3A_1, %get3A_4 : vector<256x1xf32>
    %add3A_5 = arith.constant 1.000000e+00 : f32
    %add3A_6 = vector.broadcast %add3A_5 : f32 to vector<256x1xf32>
    %add3A_7 = arith.addf %add3A, %add3A_6 : vector<256x1xf32>
    %rsqrt3A = math.rsqrt %add3A_7 : vector<256x1xf32>
    %mul3A = arith.constant 256 : i32
    %mul3A_8 = arith.muli %arg0, %mul3A : i32
    %iota3A = tpu.iota {dimensions = array<i32: 0>} : vector<256x1xi32>
    %add3A_9 = vector.broadcast %mul3A_8 : i32 to vector<256x1xi32>
    %add3A_10 = arith.addi %add3A_9, %iota3A : vector<256x1xi32>
    %lt3A = arith.constant 10000 : i32
    %lt3A_11 = vector.broadcast %lt3A : i32 to vector<256x1xi32>
    %lt3A_12 = arith.cmpi slt, %add3A_10, %lt3A_11 : vector<256x1xi32>
    %jit3A = arith.constant 0.000000e+00 : f32
    %broadcast_in_dim3A = vector.broadcast %jit3A : f32 to vector<256x1xf32>
    %select_n3A = arith.select %lt3A_12, %rsqrt3A, %broadcast_in_dim3A : vector<256x1xi1>, vector<256x1xf32>
    %get3A_13 = arith.constant 0 : index
    %get3A_14 = arith.constant 0 : index
    %get3A_15 = vector.load %arg1[%get3A_13, %get3A_14] : memref<256x128xf32, #tpu.memory_space<vmem>>, vector<256x128xf32>
    %mul3A_16 = vector.broadcast %select_n3A : vector<256x1xf32> to vector<256x128xf32>
    %mul3A_17 = arith.mulf %get3A_15, %mul3A_16 : vector<256x128xf32>
    %swap3A = arith.constant 0 : index
    %swap3A_18 = arith.constant 0 : index
    %swap3A_19 = vector.load %arg4[%swap3A, %swap3A_18] : memref<256x128xf32, #tpu.memory_space<vmem>>, vector<256x128xf32>
    tpu.vector_store %arg4[%swap3A, %swap3A_18], %mul3A_17 {strides = array<i32>} : memref<256x128xf32, #tpu.memory_space<vmem>>, vector<256x128xf32>,
    return
  }
  func.func @transform_0(%arg0: i32) -> (i32, i32) {
    %c0_i32 = arith.constant 0 : i32
    %c0_i32_0 = arith.constant 0 : i32
    return %arg0, %c0_i32 : i32, i32
  }
  func.func @transform_1(%arg0: i32) -> (i32, i32) {
    %c0_i32 = arith.constant 0 : i32
    %c0_i32_0 = arith.constant 0 : i32
    return %arg0, %c0_i32 : i32, i32
  }
  func.func @transform_2(%arg0: i32) -> (i32, i32) {
    %c0_i32 = arith.constant 0 : i32
    %c0_i32_0 = arith.constant 0 : i32
    return %arg0, %c0_i32 : i32, i32
  }
  func.func @transform_3(%arg0: i32) -> (i32, i32) {
    %c0_i32 = arith.constant 0 : i32
    %c0_i32_0 = arith.constant 0 : i32
    return %arg0, %c0_i32 : i32, i32
  }
}

module attributes {stable_mosaic.version = 14 : i64} {
  func.func @_mid_body(%arg0: i32, %arg1: memref<256x128xf32, #tpu.memory_space<vmem>>, %arg2: memref<256x128xf32, #tpu.memory_space<vmem>>, %arg3: memref<256x128xf32, #tpu.memory_space<vmem>>, %arg4: memref<256x128xf32, #tpu.memory_space<vmem>>, %arg5: memref<256x128xf32, #tpu.memory_space<vmem>>, %arg6: memref<1x128xf32, #tpu.memory_space<vmem>>, %arg7: memref<128x128xf32, #tpu.memory_space<vmem>>, %arg8: memref<256x128xf32, #tpu.memory_space<vmem>>) attributes {dimension_semantics = [#tpu.dimension_semantics<arbitrary>], iteration_bounds = array<i64: 40>, scalar_prefetch = 0 : i64, scratch_operands = 0 : i64, tpu.core_type = #tpu.core_type<tc>, window_params = [{transform_indices = @transform_0, window_bounds = array<i64: 256, 128>}, {transform_indices = @transform_1, window_bounds = array<i64: 256, 128>}, {transform_indices = @transform_2, window_bounds = array<i64: 256, 128>}, {transform_indices = @transform_3, window_bounds = array<i64: 256, 128>}, {transform_indices = @transform_4, window_bounds = array<i64: 256, 128>}, {pipeline_mode = #tpu.pipeline_mode<synchronous>, transform_indices = @transform_5, window_bounds = array<i64: 1, 128>}, {pipeline_mode = #tpu.pipeline_mode<synchronous>, transform_indices = @transform_6, window_bounds = array<i64: 128, 128>}, {transform_indices = @transform_7, window_bounds = array<i64: 256, 128>}]} {
    %get3A = arith.constant 0 : index
    %get3A_0 = arith.constant 0 : index
    %get3A_1 = vector.load %arg4[%get3A, %get3A_0] : memref<256x128xf32, #tpu.memory_space<vmem>>, vector<256x1xf32>
    %get3A_2 = arith.constant 0 : index
    %get3A_3 = arith.constant 0 : index
    %get3A_4 = vector.load %arg5[%get3A_2, %get3A_3] : memref<256x128xf32, #tpu.memory_space<vmem>>, vector<256x1xf32>
    %add3A = arith.addf %get3A_1, %get3A_4 : vector<256x1xf32>
    %add3A_5 = arith.constant 1.000000e+00 : f32
    %add3A_6 = vector.broadcast %add3A_5 : f32 to vector<256x1xf32>
    %add3A_7 = arith.addf %add3A, %add3A_6 : vector<256x1xf32>
    %rsqrt3A = math.rsqrt %add3A_7 : vector<256x1xf32>
    %mul3A = arith.constant 256 : i32
    %mul3A_8 = arith.muli %arg0, %mul3A : i32
    %iota3A = tpu.iota {dimensions = array<i32: 0>} : vector<256x1xi32>
    %add3A_9 = vector.broadcast %mul3A_8 : i32 to vector<256x1xi32>
    %add3A_10 = arith.addi %add3A_9, %iota3A : vector<256x1xi32>
    %lt3A = arith.constant 10000 : i32
    %lt3A_11 = vector.broadcast %lt3A : i32 to vector<256x1xi32>
    %lt3A_12 = arith.cmpi slt, %add3A_10, %lt3A_11 : vector<256x1xi32>
    %jit3A = arith.constant 0.000000e+00 : f32
    %broadcast_in_dim3A = vector.broadcast %jit3A : f32 to vector<256x1xf32>
    %select_n3A = arith.select %lt3A_12, %rsqrt3A, %broadcast_in_dim3A : vector<256x1xi1>, vector<256x1xf32>
    %get3A_13 = arith.constant 0 : index
    %get3A_14 = arith.constant 0 : index
    %get3A_15 = vector.load %arg2[%get3A_13, %get3A_14] : memref<256x128xf32, #tpu.memory_space<vmem>>, vector<256x128xf32>
    %get3A_16 = arith.constant 0 : index
    %get3A_17 = arith.constant 0 : index
    %get3A_18 = vector.load %arg3[%get3A_16, %get3A_17] : memref<256x128xf32, #tpu.memory_space<vmem>>, vector<256x128xf32>
    %add3A_19 = arith.addf %get3A_15, %get3A_18 : vector<256x128xf32>
    %get3A_20 = arith.constant 0 : index
    %get3A_21 = arith.constant 0 : index
    %get3A_22 = vector.load %arg1[%get3A_20, %get3A_21] : memref<256x128xf32, #tpu.memory_space<vmem>>, vector<256x128xf32>
    %add3A_23 = arith.addf %add3A_19, %get3A_22 : vector<256x128xf32>
    %mul3A_24 = vector.broadcast %select_n3A : vector<256x1xf32> to vector<256x128xf32>
    %mul3A_25 = arith.mulf %mul3A_24, %add3A_23 : vector<256x128xf32>
    %get3A_26 = arith.constant 0 : index
    %get3A_27 = arith.constant 0 : index
    %get3A_28 = vector.load %arg6[%get3A_26, %get3A_27] : memref<1x128xf32, #tpu.memory_space<vmem>>, vector<1x128xf32>
    %add3A_29 = vector.broadcast %get3A_28 : vector<1x128xf32> to vector<256x128xf32>
    %add3A_30 = arith.addf %mul3A_25, %add3A_29 : vector<256x128xf32>
    %max3A = arith.constant 0.000000e+00 : f32
    %max3A_31 = vector.broadcast %max3A : f32 to vector<256x128xf32>
    %max3A_32 = arith.maximumf %add3A_30, %max3A_31 : vector<256x128xf32>
    %get3A_33 = arith.constant 0 : index
    %get3A_34 = arith.constant 0 : index
    %get3A_35 = vector.load %arg7[%get3A_33, %get3A_34] : memref<128x128xf32, #tpu.memory_space<vmem>>, vector<128x128xf32>
    %dot_general3A = arith.constant dense<0.000000e+00> : vector<256x128xf32>
    %dot_general3A_36 = tpu.matmul %max3A_32, %get3A_35, %dot_general3A {dimension_numbers = #tpu.dot_dimension_numbers<[1], [0], [0], [1], [0, 0, 1, 1], [], []>, transpose_lhs_hint = false} : vector<256x128xf32>, vector<128x128xf32>, vector<256x128xf32> -> vector<256x128xf32>
    %mul3A_37 = vector.broadcast %select_n3A : vector<256x1xf32> to vector<256x128xf32>
    %mul3A_38 = arith.mulf %dot_general3A_36, %mul3A_37 : vector<256x128xf32>
    %swap3A = arith.constant 0 : index
    %swap3A_39 = arith.constant 0 : index
    %swap3A_40 = vector.load %arg8[%swap3A, %swap3A_39] : memref<256x128xf32, #tpu.memory_space<vmem>>, vector<256x128xf32>
    tpu.vector_store %arg8[%swap3A, %swap3A_39], %mul3A_38 {strides = array<i32>} : memref<256x128xf32, #tpu.memory_space<vmem>>, vector<256x128xf32>,
    return
  }
  func.func @transform_0(%arg0: i32) -> (i32, i32) {
    %c0_i32 = arith.constant 0 : i32
    %c0_i32_0 = arith.constant 0 : i32
    return %arg0, %c0_i32 : i32, i32
  }
  func.func @transform_1(%arg0: i32) -> (i32, i32) {
    %c0_i32 = arith.constant 0 : i32
    %c0_i32_0 = arith.constant 0 : i32
    return %arg0, %c0_i32 : i32, i32
  }
  func.func @transform_2(%arg0: i32) -> (i32, i32) {
    %c0_i32 = arith.constant 0 : i32
    %c0_i32_0 = arith.constant 0 : i32
    return %arg0, %c0_i32 : i32, i32
  }
  func.func @transform_3(%arg0: i32) -> (i32, i32) {
    %c0_i32 = arith.constant 0 : i32
    %c0_i32_0 = arith.constant 0 : i32
    return %arg0, %c0_i32 : i32, i32
  }
  func.func @transform_4(%arg0: i32) -> (i32, i32) {
    %c0_i32 = arith.constant 0 : i32
    %c0_i32_0 = arith.constant 0 : i32
    return %arg0, %c0_i32 : i32, i32
  }
  func.func @transform_5(%arg0: i32) -> (i32, i32) {
    %c0_i32 = arith.constant 0 : i32
    %c0_i32_0 = arith.constant 0 : i32
    %c0_i32_1 = arith.constant 0 : i32
    return %c0_i32, %c0_i32_0 : i32, i32
  }
  func.func @transform_6(%arg0: i32) -> (i32, i32) {
    %c0_i32 = arith.constant 0 : i32
    %c0_i32_0 = arith.constant 0 : i32
    %c0_i32_1 = arith.constant 0 : i32
    return %c0_i32, %c0_i32_0 : i32, i32
  }
  func.func @transform_7(%arg0: i32) -> (i32, i32) {
    %c0_i32 = arith.constant 0 : i32
    %c0_i32_0 = arith.constant 0 : i32
    return %arg0, %c0_i32 : i32, i32
  }
}

module attributes {stable_mosaic.version = 14 : i64} {
  func.func @_final_body(%arg0: i32, %arg1: memref<256x128xf32, #tpu.memory_space<vmem>>, %arg2: memref<256x128xf32, #tpu.memory_space<vmem>>, %arg3: memref<256x128xf32, #tpu.memory_space<vmem>>, %arg4: memref<256x128xf32, #tpu.memory_space<vmem>>, %arg5: memref<256x128xf32, #tpu.memory_space<vmem>>, %arg6: memref<1x128xf32, #tpu.memory_space<vmem>>, %arg7: memref<128x128xf32, #tpu.memory_space<vmem>>, %arg8: memref<1x128xf32, #tpu.memory_space<vmem>>, %arg9: memref<128x1xf32, #tpu.memory_space<vmem>>, %arg10: memref<1x1xf32, #tpu.memory_space<vmem>>, %arg11: memref<128x128xf32, #tpu.memory_space<vmem>>, %arg12: memref<1x128xf32, #tpu.memory_space<vmem>>, %arg13: memref<128x1xf32, #tpu.memory_space<vmem>>, %arg14: memref<1x1xf32, #tpu.memory_space<vmem>>, %arg15: memref<256x1xf32, #tpu.memory_space<vmem>>, %arg16: memref<256x1xf32, #tpu.memory_space<vmem>>) attributes {dimension_semantics = [#tpu.dimension_semantics<arbitrary>], iteration_bounds = array<i64: 40>, scalar_prefetch = 0 : i64, scratch_operands = 0 : i64, tpu.core_type = #tpu.core_type<tc>, window_params = [{transform_indices = @transform_0, window_bounds = array<i64: 256, 128>}, {transform_indices = @transform_1, window_bounds = array<i64: 256, 128>}, {transform_indices = @transform_2, window_bounds = array<i64: 256, 128>}, {transform_indices = @transform_3, window_bounds = array<i64: 256, 128>}, {transform_indices = @transform_4, window_bounds = array<i64: 256, 128>}, {pipeline_mode = #tpu.pipeline_mode<synchronous>, transform_indices = @transform_5, window_bounds = array<i64: 1, 128>}, {pipeline_mode = #tpu.pipeline_mode<synchronous>, transform_indices = @transform_6, window_bounds = array<i64: 128, 128>}, {pipeline_mode = #tpu.pipeline_mode<synchronous>, transform_indices = @transform_7, window_bounds = array<i64: 1, 128>}, {pipeline_mode = #tpu.pipeline_mode<synchronous>, transform_indices = @transform_8, window_bounds = array<i64: 128, 1>}, {pipeline_mode = #tpu.pipeline_mode<synchronous>, transform_indices = @transform_9, window_bounds = array<i64: 1, 1>}, {pipeline_mode = #tpu.pipeline_mode<synchronous>, transform_indices = @transform_10, window_bounds = array<i64: 128, 128>}, {pipeline_mode = #tpu.pipeline_mode<synchronous>, transform_indices = @transform_11, window_bounds = array<i64: 1, 128>}, {pipeline_mode = #tpu.pipeline_mode<synchronous>, transform_indices = @transform_12, window_bounds = array<i64: 128, 1>}, {pipeline_mode = #tpu.pipeline_mode<synchronous>, transform_indices = @transform_13, window_bounds = array<i64: 1, 1>}, {transform_indices = @transform_14, window_bounds = array<i64: 256, 1>}, {transform_indices = @transform_15, window_bounds = array<i64: 256, 1>}]} {
    %get3A = arith.constant 0 : index
    %get3A_0 = arith.constant 0 : index
    %get3A_1 = vector.load %arg4[%get3A, %get3A_0] : memref<256x128xf32, #tpu.memory_space<vmem>>, vector<256x1xf32>
    %get3A_2 = arith.constant 0 : index
    %get3A_3 = arith.constant 0 : index
    %get3A_4 = vector.load %arg5[%get3A_2, %get3A_3] : memref<256x128xf32, #tpu.memory_space<vmem>>, vector<256x1xf32>
    %add3A = arith.addf %get3A_1, %get3A_4 : vector<256x1xf32>
    %add3A_5 = arith.constant 1.000000e+00 : f32
    %add3A_6 = vector.broadcast %add3A_5 : f32 to vector<256x1xf32>
    %add3A_7 = arith.addf %add3A, %add3A_6 : vector<256x1xf32>
    %rsqrt3A = math.rsqrt %add3A_7 : vector<256x1xf32>
    %mul3A = arith.constant 256 : i32
    %mul3A_8 = arith.muli %arg0, %mul3A : i32
    %iota3A = tpu.iota {dimensions = array<i32: 0>} : vector<256x1xi32>
    %add3A_9 = vector.broadcast %mul3A_8 : i32 to vector<256x1xi32>
    %add3A_10 = arith.addi %add3A_9, %iota3A : vector<256x1xi32>
    %lt3A = arith.constant 10000 : i32
    %lt3A_11 = vector.broadcast %lt3A : i32 to vector<256x1xi32>
    %lt3A_12 = arith.cmpi slt, %add3A_10, %lt3A_11 : vector<256x1xi32>
    %jit3A = arith.constant 0.000000e+00 : f32
    %broadcast_in_dim3A = vector.broadcast %jit3A : f32 to vector<256x1xf32>
    %select_n3A = arith.select %lt3A_12, %rsqrt3A, %broadcast_in_dim3A : vector<256x1xi1>, vector<256x1xf32>
    %get3A_13 = arith.constant 0 : index
    %get3A_14 = arith.constant 0 : index
    %get3A_15 = vector.load %arg2[%get3A_13, %get3A_14] : memref<256x128xf32, #tpu.memory_space<vmem>>, vector<256x128xf32>
    %get3A_16 = arith.constant 0 : index
    %get3A_17 = arith.constant 0 : index
    %get3A_18 = vector.load %arg3[%get3A_16, %get3A_17] : memref<256x128xf32, #tpu.memory_space<vmem>>, vector<256x128xf32>
    %add3A_19 = arith.addf %get3A_15, %get3A_18 : vector<256x128xf32>
    %get3A_20 = arith.constant 0 : index
    %get3A_21 = arith.constant 0 : index
    %get3A_22 = vector.load %arg1[%get3A_20, %get3A_21] : memref<256x128xf32, #tpu.memory_space<vmem>>, vector<256x128xf32>
    %add3A_23 = arith.addf %add3A_19, %get3A_22 : vector<256x128xf32>
    %mul3A_24 = vector.broadcast %select_n3A : vector<256x1xf32> to vector<256x128xf32>
    %mul3A_25 = arith.mulf %mul3A_24, %add3A_23 : vector<256x128xf32>
    %get3A_26 = arith.constant 0 : index
    %get3A_27 = arith.constant 0 : index
    %get3A_28 = vector.load %arg6[%get3A_26, %get3A_27] : memref<1x128xf32, #tpu.memory_space<vmem>>, vector<1x128xf32>
    %add3A_29 = vector.broadcast %get3A_28 : vector<1x128xf32> to vector<256x128xf32>
    %add3A_30 = arith.addf %mul3A_25, %add3A_29 : vector<256x128xf32>
    %max3A = arith.constant 0.000000e+00 : f32
    %max3A_31 = vector.broadcast %max3A : f32 to vector<256x128xf32>
    %max3A_32 = arith.maximumf %add3A_30, %max3A_31 : vector<256x128xf32>
    %get3A_33 = arith.constant 0 : index
    %get3A_34 = arith.constant 0 : index
    %get3A_35 = vector.load %arg7[%get3A_33, %get3A_34] : memref<128x128xf32, #tpu.memory_space<vmem>>, vector<128x128xf32>
    %dot_general3A = arith.constant dense<0.000000e+00> : vector<256x128xf32>
    %dot_general3A_36 = tpu.matmul %max3A_32, %get3A_35, %dot_general3A {dimension_numbers = #tpu.dot_dimension_numbers<[1], [0], [0], [1], [0, 0, 1, 1], [], []>, transpose_lhs_hint = false} : vector<256x128xf32>, vector<128x128xf32>, vector<256x128xf32> -> vector<256x128xf32>
    %get3A_37 = arith.constant 0 : index
    %get3A_38 = arith.constant 0 : index
    %get3A_39 = vector.load %arg8[%get3A_37, %get3A_38] : memref<1x128xf32, #tpu.memory_space<vmem>>, vector<1x128xf32>
    %add3A_40 = vector.broadcast %get3A_39 : vector<1x128xf32> to vector<256x128xf32>
    %add3A_41 = arith.addf %dot_general3A_36, %add3A_40 : vector<256x128xf32>
    %max3A_42 = arith.constant 0.000000e+00 : f32
    %max3A_43 = vector.broadcast %max3A_42 : f32 to vector<256x128xf32>
    %max3A_44 = arith.maximumf %add3A_41, %max3A_43 : vector<256x128xf32>
    %get3A_45 = arith.constant 0 : index
    %get3A_46 = arith.constant 0 : index
    %get3A_47 = vector.load %arg9[%get3A_45, %get3A_46] : memref<128x1xf32, #tpu.memory_space<vmem>>, vector<128x1xf32>
    %dot_general3A_48 = arith.constant dense<0.000000e+00> : vector<256x1xf32>
    %dot_general3A_49 = tpu.matmul %max3A_44, %get3A_47, %dot_general3A_48 {dimension_numbers = #tpu.dot_dimension_numbers<[1], [0], [0], [1], [0, 0, 1, 1], [], []>, transpose_lhs_hint = false} : vector<256x128xf32>, vector<128x1xf32>, vector<256x1xf32> -> vector<256x1xf32>
    %get3A_50 = arith.constant 0 : index
    %get3A_51 = arith.constant 0 : index
    %get3A_52 = vector.load %arg10[%get3A_50, %get3A_51] : memref<1x1xf32, #tpu.memory_space<vmem>>, vector<1x1xf32>
    %get3A_53 = vector.extract %get3A_52[0, 0] : f32 from vector<1x1xf32>
    %add3A_54 = vector.broadcast %get3A_53 : f32 to vector<256x1xf32>
    %add3A_55 = arith.addf %dot_general3A_49, %add3A_54 : vector<256x1xf32>
    %swap3A = arith.constant 0 : index
    %swap3A_56 = arith.constant 0 : index
    %swap3A_57 = vector.load %arg15[%swap3A, %swap3A_56] : memref<256x1xf32, #tpu.memory_space<vmem>>, vector<256x1xf32>
    tpu.vector_store %arg15[%swap3A, %swap3A_56], %add3A_55 {strides = array<i32>} : memref<256x1xf32, #tpu.memory_space<vmem>>, vector<256x1xf32>,
    %get3A_58 = arith.constant 0 : index
    %get3A_59 = arith.constant 0 : index
    %get3A_60 = vector.load %arg11[%get3A_58, %get3A_59] : memref<128x128xf32, #tpu.memory_space<vmem>>, vector<128x128xf32>
    %dot_general3A_61 = arith.constant dense<0.000000e+00> : vector<256x128xf32>
    %dot_general3A_62 = tpu.matmul %max3A_32, %get3A_60, %dot_general3A_61 {dimension_numbers = #tpu.dot_dimension_numbers<[1], [0], [0], [1], [0, 0, 1, 1], [], []>, transpose_lhs_hint = false} : vector<256x128xf32>, vector<128x128xf32>, vector<256x128xf32> -> vector<256x128xf32>
    %get3A_63 = arith.constant 0 : index
    %get3A_64 = arith.constant 0 : index
    %get3A_65 = vector.load %arg12[%get3A_63, %get3A_64] : memref<1x128xf32, #tpu.memory_space<vmem>>, vector<1x128xf32>
    %add3A_66 = vector.broadcast %get3A_65 : vector<1x128xf32> to vector<256x128xf32>
    %add3A_67 = arith.addf %dot_general3A_62, %add3A_66 : vector<256x128xf32>
    %max3A_68 = arith.constant 0.000000e+00 : f32
    %max3A_69 = vector.broadcast %max3A_68 : f32 to vector<256x128xf32>
    %max3A_70 = arith.maximumf %add3A_67, %max3A_69 : vector<256x128xf32>
    %get3A_71 = arith.constant 0 : index
    %get3A_72 = arith.constant 0 : index
    %get3A_73 = vector.load %arg13[%get3A_71, %get3A_72] : memref<128x1xf32, #tpu.memory_space<vmem>>, vector<128x1xf32>
    %dot_general3A_74 = arith.constant dense<0.000000e+00> : vector<256x1xf32>
    %dot_general3A_75 = tpu.matmul %max3A_70, %get3A_73, %dot_general3A_74 {dimension_numbers = #tpu.dot_dimension_numbers<[1], [0], [0], [1], [0, 0, 1, 1], [], []>, transpose_lhs_hint = false} : vector<256x128xf32>, vector<128x1xf32>, vector<256x1xf32> -> vector<256x1xf32>
    %get3A_76 = arith.constant 0 : index
    %get3A_77 = arith.constant 0 : index
    %get3A_78 = vector.load %arg14[%get3A_76, %get3A_77] : memref<1x1xf32, #tpu.memory_space<vmem>>, vector<1x1xf32>
    %get3A_79 = vector.extract %get3A_78[0, 0] : f32 from vector<1x1xf32>
    %add3A_80 = vector.broadcast %get3A_79 : f32 to vector<256x1xf32>
    %add3A_81 = arith.addf %dot_general3A_75, %add3A_80 : vector<256x1xf32>
    %swap3A_82 = arith.constant 0 : index
    %swap3A_83 = arith.constant 0 : index
    %swap3A_84 = vector.load %arg16[%swap3A_82, %swap3A_83] : memref<256x1xf32, #tpu.memory_space<vmem>>, vector<256x1xf32>
    tpu.vector_store %arg16[%swap3A_82, %swap3A_83], %add3A_81 {strides = array<i32>} : memref<256x1xf32, #tpu.memory_space<vmem>>, vector<256x1xf32>,
    return
  }
  func.func @transform_0(%arg0: i32) -> (i32, i32) {
    %c0_i32 = arith.constant 0 : i32
    %c0_i32_0 = arith.constant 0 : i32
    return %arg0, %c0_i32 : i32, i32
  }
  func.func @transform_1(%arg0: i32) -> (i32, i32) {
    %c0_i32 = arith.constant 0 : i32
    %c0_i32_0 = arith.constant 0 : i32
    return %arg0, %c0_i32 : i32, i32
  }
  func.func @transform_2(%arg0: i32) -> (i32, i32) {
    %c0_i32 = arith.constant 0 : i32
    %c0_i32_0 = arith.constant 0 : i32
    return %arg0, %c0_i32 : i32, i32
  }
  func.func @transform_3(%arg0: i32) -> (i32, i32) {
    %c0_i32 = arith.constant 0 : i32
    %c0_i32_0 = arith.constant 0 : i32
    return %arg0, %c0_i32 : i32, i32
  }
  func.func @transform_4(%arg0: i32) -> (i32, i32) {
    %c0_i32 = arith.constant 0 : i32
    %c0_i32_0 = arith.constant 0 : i32
    return %arg0, %c0_i32 : i32, i32
  }
  func.func @transform_5(%arg0: i32) -> (i32, i32) {
    %c0_i32 = arith.constant 0 : i32
    %c0_i32_0 = arith.constant 0 : i32
    %c0_i32_1 = arith.constant 0 : i32
    return %c0_i32, %c0_i32_0 : i32, i32
  }
  func.func @transform_6(%arg0: i32) -> (i32, i32) {
    %c0_i32 = arith.constant 0 : i32
    %c0_i32_0 = arith.constant 0 : i32
    %c0_i32_1 = arith.constant 0 : i32
    return %c0_i32, %c0_i32_0 : i32, i32
  }
  func.func @transform_7(%arg0: i32) -> (i32, i32) {
    %c0_i32 = arith.constant 0 : i32
    %c0_i32_0 = arith.constant 0 : i32
    %c0_i32_1 = arith.constant 0 : i32
    return %c0_i32, %c0_i32_0 : i32, i32
  }
  func.func @transform_8(%arg0: i32) -> (i32, i32) {
    %c0_i32 = arith.constant 0 : i32
    %c0_i32_0 = arith.constant 0 : i32
    %c0_i32_1 = arith.constant 0 : i32
    return %c0_i32, %c0_i32_0 : i32, i32
  }
  func.func @transform_9(%arg0: i32) -> (i32, i32) {
    %c0_i32 = arith.constant 0 : i32
    %c0_i32_0 = arith.constant 0 : i32
    %c0_i32_1 = arith.constant 0 : i32
    return %c0_i32, %c0_i32_0 : i32, i32
  }
  func.func @transform_10(%arg0: i32) -> (i32, i32) {
    %c0_i32 = arith.constant 0 : i32
    %c0_i32_0 = arith.constant 0 : i32
    %c0_i32_1 = arith.constant 0 : i32
    return %c0_i32, %c0_i32_0 : i32, i32
  }
  func.func @transform_11(%arg0: i32) -> (i32, i32) {
    %c0_i32 = arith.constant 0 : i32
    %c0_i32_0 = arith.constant 0 : i32
    %c0_i32_1 = arith.constant 0 : i32
    return %c0_i32, %c0_i32_0 : i32, i32
  }
  func.func @transform_12(%arg0: i32) -> (i32, i32) {
    %c0_i32 = arith.constant 0 : i32
    %c0_i32_0 = arith.constant 0 : i32
    %c0_i32_1 = arith.constant 0 : i32
    return %c0_i32, %c0_i32_0 : i32, i32
  }
  func.func @transform_13(%arg0: i32) -> (i32, i32) {
    %c0_i32 = arith.constant 0 : i32
    %c0_i32_0 = arith.constant 0 : i32
    %c0_i32_1 = arith.constant 0 : i32
    return %c0_i32, %c0_i32_0 : i32, i32
  }
  func.func @transform_14(%arg0: i32) -> (i32, i32) {
    %c0_i32 = arith.constant 0 : i32
    %c0_i32_0 = arith.constant 0 : i32
    return %arg0, %c0_i32 : i32, i32
  }
  func.func @transform_15(%arg0: i32) -> (i32, i32) {
    %c0_i32 = arith.constant 0 : i32
    %c0_i32_0 = arith.constant 0 : i32
    return %arg0, %c0_i32 : i32, i32
  }
}

</mosaic_0001>

<sc_bundles>
// kernel: kernel.12.cloned.1.call-start
scs
__scs_entry_jumppad:
0x0: {  	(pc) =	sbr.rel $0x88, $3  }
0x1: {  	(tag) =	ssettag $0x0;
	lr =	simm.s32 $0x1  }
0x2: {  	[smem:$0x3F92] =	sst lr;
	_ =	strace $0xD0000000  }
0x3: {  	_ = 	snop  }
0x4: {  	_ = 	snop  }
0x5: {  	_ = 	snop  }
0x6: {  	_ = 	snop  }
0x7: {  	_ = 	snop  }
__scs_overlays_trampoline_lowered:
0x8: {  	[smem:$0x3FA1] =	sst s0  }
0x9: {  	[smem:$0x3FA2] =	sst s1  }
0xa: {  	[smem:$0x3FA3] =	sst s2  }
0xb: {  	[smem:$0x3FA4] =	sst s3  }
0xc: {  	[smem:$0x3FA5] =	sst s4  }
0xd: {  	[smem:$0x3FA6] =	sst s5  }
0xe: {  	[smem:$0x3FA7] =	sst s6  }
0xf: {  	[smem:$0x3FA8] =	sst s7  }
0x10: {  	[smem:$0x3FA9] =	sst s8  }
0x11: {  	[smem:$0x3FAA] =	sst s9;
	s0 =	simm.s32 @!p0 $0x0  }
0x12: {  	s1 =	sld [smem:$0x3F90];
	s0 =	simm.s32 @p0 $0x1  }
0x13: {  	[smem:$0x3FAB] =	sst s0;
	s0 =	simm.s32 @!p1 $0x0  }
0x14: {  	s2 =	sld [smem:$0x3F8F];
	s0 =	simm.s32 @p1 $0x1  }
0x15: {  	[smem:$0x3FAC] =	sst s0;
	s0 =	simm.s32 @!p2 $0x0  }
0x16: {  	s3 =	sld [smem:$0x3FDB];
	s0 =	simm.s32 @p2 $0x1  }
0x17: {  	s4 =	simm.s32 $0x1BF5;
	[smem:$0x3FAE] =	sst s0  }
0x18: {  	s0 =	sld [smem:$0x3F91];
	_ =	swait.ge [sflag:s4], $0x0  }
0x19: {  	s7 =	sld [smem:$0x3F92]  }
0x1a: {  	s8 =	sadd.s32 $0xFFFFE003, lr  }
0x1b: {  	s9 =	sadd.s32 $0xFFFFFEF7, lr;
	s5 =	simm.s32 $0xFFFFFFFF;
	p2 =	slt.u32 s8, $0xFFFFF086  }
0x1c: {  	p1 =	slt.u32 s9, $0xF7A;
	s5 =	simm.s32 @!p2 $0x0  }
0x1d: {  	s5 =	simm.s32 @p1 $0x1;
	p0 =	seq.s32 s7, s2  }
0x1e: {  	s7 =	smul.u32 @!p0 $0xF7A, s2;
	p2 =	seq.s32 @!p0 s5, $0x0  }
0x1f: {  	s9 =	smul.u32 $0xF7A, s1;
	s8 =	simm.s32 @!p0 $0x1BF5;
	p2 =	por !p2, p0  }
0x20: {  	[sflag:s8] =	ssyncset.s32 @!p0 $0xFFFFF086;
	s6 =	sadd.s32 @!p0 s3, s7;
	s7 =	simm.s32 @!p0 $0x108  }
0x21: {  	s3 =	sadd.s32 s3, s9;
	s6 =	sadd.s32 @!p0 $0x88, s6;
	s7 =	simm.s32 @p2 $0x1082  }
0x22: {  	[simem:s7], [sflag:s8] =	dma.local @!p0 [hbm:s6], $0xF7A  }
0x23: {  	s9 =	sor.u32 $0xD0000000, s2;
	s6 =	simm.s32 $0x108;
	_ =	swait.ge @!p0 [sflag:s8], $0x0  }
0x24: {  	s3 =	sadd.s32 $0x88, s3;
	s6 =	simm.s32 @!p1 $0x1082;
	[sflag:s4] =	ssyncset.s32 $0xFFFFF086  }
0x25: {  	[simem:s6], [sflag:s4] =	dma.local [hbm:s3], $0xF7A  }
0x26: {  	[smem:$0x3F92] =	sst s1;
	(tag) =	ssettag s2;
	_ =	strace s9  }
0x27: {  	s1 =	sld [smem:$0x3FA2]  }
0x28: {  	s2 =	sld [smem:$0x3FA3]  }
0x29: {  	s4 =	sld [smem:$0x3FA5]  }
0x2a: {  	p0 =	seq.s32 s5, $0x0;
	s5 =	sld [smem:$0x3FA6]  }
0x2b: {  	s6 =	sld [smem:$0x3FA7]  }
0x2c: {  	s7 =	sld [smem:$0x3FA8]  }
0x2d: {  	s3 =	simm.s32 $0x108;
	s8 =	sld [smem:$0x3FA9]  }
0x2e: {  	s3 =	simm.s32 @!p0 $0x1082;
	s9 =	sld [smem:$0x3FAA]  }
0x2f: {  	lr =	sadd.s32 s0, s3;
	s0 =	sld [smem:$0x3FA1]  }
0x30: {  	s3 =	sld [smem:$0x3FA4]  }
0x31: {  	[smem:$0x3FAD] =	sst s10  }
0x32: {  	s10 =	sld [smem:$0x3FAB];
	_ =	sdelay $0x3  }
0x33: {  	p0 =	seq.s32 s10, $0x1;
	s10 =	sld [smem:$0x3FAD];
	_ =	sdelay $0x3  }
0x34: {  	[smem:$0x3FAD] =	sst s10  }
0x35: {  	s10 =	sld [smem:$0x3FAC];
	_ =	sdelay $0x3  }
0x36: {  	p1 =	seq.s32 s10, $0x1;
	s10 =	sld [smem:$0x3FAD];
	_ =	sdelay $0x3  }
0x37: {  	[smem:$0x3FAD] =	sst s10  }
0x38: {  	s10 =	sld [smem:$0x3FAE]  }
0x39: {  	_ = 	snop;
	(pc) =	sbr.ind lr, $3  }
0x3a: {  	_ = 	snop  }
0x3b: {  	_ = 	snop  }
0x3c: {  	p2 =	seq.s32 s10, $0x1;
	s10 =	sld [smem:$0x3FAD]  }
0x3d: {  	_ =	shalt  }
0x3e: {  	_ =	shalt  }
0x3f: {  	_ =	shalt  }
0x40: {  	_ =	shalt  }
0x41: {  	_ =	shalt  }
0x42: {  	_ =	shalt  }
0x43: {  	_ =	shalt  }
0x44: {  	_ =	shalt  }
0x45: {  	_ =	shalt  }
0x46: {  	_ =	shalt  }
0x47: {  	_ =	shalt  }
0x48: {  	_ =	shalt  }
0x49: {  	_ =	shalt  }
0x4a: {  	_ =	shalt  }
0x4b: {  	_ =	shalt  }
0x4c: {  	_ =	shalt  }
0x4d: {  	_ =	shalt  }
0x4e: {  	_ =	shalt  }
0x4f: {  	_ =	shalt  }
0x50: {  	_ =	shalt  }
0x51: {  	_ =	shalt  }
0x52: {  	_ =	shalt  }
0x53: {  	_ =	shalt  }
0x54: {  	_ =	shalt  }
0x55: {  	_ =	shalt  }
0x56: {  	_ =	shalt  }
0x57: {  	_ =	shalt  }
0x58: {  	_ =	shalt  }
0x59: {  	_ =	shalt  }
0x5a: {  	_ =	shalt  }
0x5b: {  	_ =	shalt  }
0x5c: {  	_ =	shalt  }
0x5d: {  	_ =	shalt  }
0x5e: {  	_ =	shalt  }
0x5f: {  	_ =	shalt  }
0x60: {  	_ =	shalt  }
0x61: {  	_ =	shalt  }
0x62: {  	_ =	shalt  }
0x63: {  	_ =	shalt  }
0x64: {  	_ =	shalt  }
0x65: {  	_ =	shalt  }
0x66: {  	_ =	shalt  }
0x67: {  	_ =	shalt  }
0x68: {  	_ =	shalt  }
0x69: {  	_ =	shalt  }
0x6a: {  	_ =	shalt  }
0x6b: {  	_ =	shalt  }
0x6c: {  	_ =	shalt  }
0x6d: {  	_ =	shalt  }
0x6e: {  	_ =	shalt  }
0x6f: {  	_ =	shalt  }
0x70: {  	_ =	shalt  }
0x71: {  	_ =	shalt  }
0x72: {  	_ =	shalt  }
0x73: {  	_ =	shalt  }
0x74: {  	_ =	shalt  }
0x75: {  	_ =	shalt  }
0x76: {  	_ =	shalt  }
0x77: {  	_ =	shalt  }
0x78: {  	_ =	shalt  }
0x79: {  	_ =	shalt  }
0x7a: {  	_ =	shalt  }
0x7b: {  	_ =	shalt  }
0x7c: {  	_ =	shalt  }
0x7d: {  	_ =	shalt  }
0x7e: {  	_ =	shalt  }
0x7f: {  	_ =	shalt  }
0x80: {  	_ =	shalt  }
0x81: {  	_ =	shalt  }
0x82: {  	_ =	shalt  }
0x83: {  	_ =	shalt  }
0x84: {  	_ =	shalt  }
0x85: {  	_ =	shalt  }
0x86: {  	_ =	shalt  }
0x87: {  	_ =	shalt  }
.Lfunc_end0:
.L_simem_size_0:
called_computation.1_lowered:
.L_overlay_start_0:
0x88: {  	s2 =	sld [smem:$0x3FD9]  }
0x89: {  	s3 =	sld [smem:$0x3FFE];
	_ =	sdelay $0x1  }
0x8a: {  	s1 =	srdreg.scid  }
0x8b: {  	s0 =	sand.u32 $0x1, s1  }
0x8c: {  	s16 =	sshll.u32 s0, $0xA;
	s2 =	sadd.s32 s3, s2  }
0x8d: {  	s2 =	sadd.s32 s2, s16  }
0x8e: {  	[smem:$0x3FB9] =	sst s2  }
0x8f: {  	_ = 	snop  }
0x90: {  	(tm) =	ssettm $0x1  }
0x91: {  	s17 =	sld [smem:$0x3FFB];
	_ =	sdelay $0x3  }
0x92: {  	_ =	strace s17  }
0x93: {  	s2 =	sld [smem:$0x3FFC];
	_ =	sdelay $0x3  }
0x94: {  	_ =	strace s2  }
0x95: {  	s2 =	sld [smem:$0x3FFD];
	_ =	sdelay $0x3  }
0x96: {  	_ =	strace s2  }
0x97: {  	_ =	strace $0x8FFFFFFF  }
0x98: {  	s18 =	sld [smem:$0x3FDB];
	_ =	sdelay $0x1  }
0x99: {  	s19 =	simm.s32 $_scs_section_size  }
0x9a: {  	s4 =	simm.s32 $_size__tile_overlayer_lowered;
	s5 =	simm.s32 $_tile_overlayer_lowered  }
0x9b: {  	s22 =	simm.s32 $0x1BFF;
	s21 =	sshll.u32 s5, $0x1;
	s2 =	sadd.s32 s19, s18  }
0x9c: {  	s6 =	simm.s32 $0x0;
	s20 =	sshll.u32 s4, $0x1;
	s4 =	sadd.s32 s21, s2  }
0x9d: {  	[timem:s6], [sflag:s22] =	dma.local [hbm:s4], s20  }
0x9e: {  	_ =	swait.ge [sflag:s22], s20  }
0x9f: {  	s3 =	ssub.s32 $0x0, s20;
	[sflag:s22] =	ssyncset.done $0x0  }
0xa0: {  	[sflag:s22] =	ssyncadd.s32 s3;
	_ =	sdelay $0x1  }
0xa1: {  	s23 =	simm.s32 $0x1B8B  }
0xa2: {  	_ =	swait.ge [sflag:s23], $0x1  }
0xa3: {  	[sflag:s23] =	ssyncset.done $0x0  }
0xa4: {  	s25 =	simm.s32 $0x1B8E;
	s24 =	sld [smem:$0x3FFE];
	[sflag:s23] =	ssyncadd.s32 $0xFFFFFFFF  }
0xa5: {  	s26 =	simm.s32 $execute0_lowered;
	[smem:$0x3FD2] =	sst s25  }
0xa6: {  	s4 =	sshll.u32 s26, $0x1;
	_ =	strace $0x80000049;
	[dreg:$0x1] =	wrdreg $0xFFFFFFFF  }
0xa7: {  	s28 =	simm.s32 $_size_execute0_lowered;
	s2 =	sadd.s32 s2, s4;
	[dreg:$0x0] =	wrdreg $0x0  }
0xa8: {  	s4 =	sshll.u32 s28, $0x1;
	[dreg:$0x2] =	wrdreg s2  }
0xa9: {  	[dreg:$0x3] =	wrdreg s4  }
0xaa: {  	[dreg:$0x4] =	wrdreg $0xC0  }
0xab: {  	_ =	task [dreg:s6], $0x5FFFF  }
0xac: {  	[dreg:$0x1] =	wrdreg $0xFFFFFFFF  }
0xad: {  	[dreg:$0x0] =	wrdreg $0x60  }
0xae: {  	[dreg:$0x2] =	wrdreg s24  }
0xaf: {  	[dreg:$0x3] =	wrdreg $0x81000  }
0xb0: {  	[dreg:$0x4] =	wrdreg $0x9  }
0xb1: {  	_ =	task.clear_ibuf [dreg:s6], $0x5FFFF;
	_ =	strace $0x90000049  }
0xb2: {  	s29 =	simm.s32 $0x9;
	_ =	strace $0x8000004B  }
0xb3: {  	_ =	swait.ge [sflag:s29], $0x1  }
0xb4: {  	[sflag:s29] =	ssyncadd.s32 $0xFFFFFFFF  }
0xb5: {  	_ =	strace $0x9000004B  }
0xb6: {  	_ =	sfence  }
0xb7: {  	s30 =	sld [smem:$0x0];
	_ =	sdelay $0x2  }
0xb8: {  	s31 =	sshll.u32 s1, $0xD;
	s1 =	sshrl.u32 s1, $0x2  }
0xb9: {  	s3 =	sand.u32 $0x4000, s31;
	s1 =	sadd.s32 s1, s30  }
0xba: {  	s0 =	sor.u32 s3, s0;
	s1 =	sshll.u32 s1, $0x11  }
0xbb: {  	s0 =	sor.u32 s1, s0  }
0xbc: {  	s0 =	sadd.s32 $0x8F2B, s0  }
0xbd: {  	[sflag:s0] =	ssyncadd.remote.s32 $0x1  }
0xbe: {  	_ =	sfence.sel $0xFFFF  }
0xbf: {  	[dreg:$0x0] =	wrdreg $0xFFFFFFFF;
	(pc) =	sbr.abs _section_cstart, $3  }
0xc0: {  	[dreg:$0x1] =	wrdreg $0xFFFFFFFF  }
0xc1: {  	_ =	task.clear_ibuf [dreg:s6], $0x2FFFF;
	_ =	strace $0x9FFFFFFF  }
0xc2: {  	(tm) =	ssettm $0x7FFFFFFF  }
0xc3: {  	_ =	shalt  }
tec
execute0_lowered:
.L_overlay_start_1:
0x0: {  	(tag) =	ssettag $0x1  }
0x1: {  	s5 =	rddreg [dreg:$0x0]  }
0x2: {  	s1 =	rddreg [dreg:$0x1];
	s2 =	srdreg.scid  }
0x3: {  	s0 =	rddreg [dreg:$0x2];
	s3 =	simm.s32 $0x0;
	s14 =	simm.s32 $0x4100  }
0x4: {  	s15 =	simm.s32 $0x2;
	s16 =	simm.s32 $0x80;
	s6 =	sand.u32 $0x1, s2  }
0x5: {  	s17 =	simm.s32 $0x100;
	s2 =	stileid.u32;
	s7 =	smul.u32 $0x140000, s6  }
0x6: {  	s18 =	simm.s32 $0x1;
	s21 =	simm.s32 $0x0;
	s8 =	smul.u32 $0x14000, s2  }
0x7: {  	[smem:$0x7FF] =	sst s3;
	s4 =	sadd.s32 $0x67800, s5;
	s9 =	smul.u32 $0x4F00, s6  }
0x8: {  	_ =	strace $0x8000004A;
	s29 =	smul.u32 $0x50000, s2;
	s6 =	ssub.s32 $0x2, s6  }
0x9: {  	s12 =	smul.u32 $0x4F0, s2;
	s19 =	sshll.u32 s2, $0x6;
	s30 =	sshrl.u32 s6, $0x1  }
0xa: {  	s19 =	sor.u32 $0x1C02, s19;
	s7 =	sadd.s32 s8, s7;
	s11 =	sadd.s32 s9, s5  }
0xb: {  	s8 =	sshrl.u32 s29, $0x2;
	s31 =	ssub.s32 s6, s30;
	s7 =	sshrl.u32 s7, $0x3  }
0xc: {  	s13 =	sadd.s32 s12, s11;
	s7 =	sadd.s32 s7, s5;
	s5 =	sadd.s32 s8, s1  }
0xd: {  	s12 =	sadd.s32 $0x3C00, s13;
	s13 =	sadd.s32 $0x5DA00, s13;
	s6 =	sadd.s32 $0x8F800, s7  }
0xe: {  	s7 =	smax.u32 s31, $0x1;
	s8 =	sadd.s32 $0x4000, s5;
	s9 =	sadd.s32 $0x8000, s5  }
0xf: {  	v0 =	vimm.f32 $0.0e+00;
	s10 =	sadd.s32 $0xC000, s5;
	s11 =	sadd.s32 $0x10000, s5;
	s20 =	sshrl.u32 s5, $0x3  }
.LBB2_1:
0x10: {  	s22 =	simm.s32 $0x0;
	s23 =	simm.s32 $0x200  }
.LBB2_2:
0x11: {  	p0 =	sne.s32 s23, $0xFE00;
	[tilespmem:s22+$0x4170] =	vst v0  }
0x12: {  	[tilespmem:s22+$0x4100] =	vst v0  }
0x13: {  	[tilespmem:s22+$0x4110] =	vst v0  }
.Ltmp0:
0x14: {  	[tilespmem:s22+$0x4120] =	vst v0;
	(pc) =	sbr.rel @p0 .LBB2_2-.Ltmp0, $4  }
0x15: {  	[tilespmem:s22+$0x4130] =	vst v0  }
0x16: {  	[tilespmem:s22+$0x4140] =	vst v0  }
0x17: {  	[tilespmem:s22+$0x4150] =	vst v0  }
0x18: {  	[tilespmem:s22+$0x4160] =	vst v0;
	s22 =	sshra.s32 s23, $0x2;
	s23 =	sadd.s32 $0x200, s23  }
0x19: {  	[tilespmem:s22+$0x4170] =	vst v0  }
0x1a: {  	[tilespmem:s22+$0x4100] =	vst v0  }
0x1b: {  	[tilespmem:s22+$0x4110] =	vst v0  }
0x1c: {  	[tilespmem:s22+$0x4120] =	vst v0  }
0x1d: {  	[tilespmem:s22+$0x4130] =	vst v0  }
0x1e: {  	[tilespmem:s22+$0x4140] =	vst v0  }
0x1f: {  	[tilespmem:s22+$0x4150] =	vst v0  }
0x20: {  	[tilespmem:s22+$0x4160] =	vst v0  }
0x21: {  	[spmem:s5] =	stream.linear.scatter [tilespmem:s14], [sflag:$0x2], $0x4000, $0x38;
	[tilespmem:$0x1C100] =	vst v63  }
0x22: {  	_ =	swait.ge [sflag:s15], $0x4000  }
0x23: {  	[sflag:s15] =	ssyncset.done $0x0  }
0x24: {  	[sflag:s15] =	ssyncadd.s32 $0xFFFFC000  }
0x25: {  	[spmem:s8] =	stream.linear.scatter [tilespmem:s14], [sflag:$0x2], $0x4000, $0x38;
	[tilespmem:$0x1C100] =	vst v63  }
0x26: {  	_ =	swait.ge [sflag:s15], $0x4000  }
0x27: {  	[sflag:s15] =	ssyncset.done $0x0  }
0x28: {  	[sflag:s15] =	ssyncadd.s32 $0xFFFFC000  }
0x29: {  	[spmem:s9] =	stream.linear.scatter [tilespmem:s14], [sflag:$0x2], $0x4000, $0x38;
	[tilespmem:$0x1C100] =	vst v63  }
0x2a: {  	_ =	swait.ge [sflag:s15], $0x4000  }
0x2b: {  	[sflag:s15] =	ssyncset.done $0x0  }
0x2c: {  	[sflag:s15] =	ssyncadd.s32 $0xFFFFC000  }
0x2d: {  	[spmem:s10] =	stream.linear.scatter [tilespmem:s14], [sflag:$0x2], $0x4000, $0x38;
	[tilespmem:$0x1C100] =	vst v63  }
0x2e: {  	_ =	swait.ge [sflag:s15], $0x4000  }
0x2f: {  	[sflag:s15] =	ssyncset.done $0x0  }
0x30: {  	[sflag:s15] =	ssyncadd.s32 $0xFFFFC000  }
0x31: {  	[spmem:s11] =	stream.linear.scatter [tilespmem:s14], [sflag:$0x2], $0x4000, $0x38;
	[tilespmem:$0x1C100] =	vst v63  }
0x32: {  	_ =	swait.ge [sflag:s15], $0x4000  }
0x33: {  	[sflag:s15] =	ssyncset.done $0x0  }
0x34: {  	[sflag:s15] =	ssyncadd.s32 $0xFFFFC000  }
0x35: {  	s30 =	sadd.s32 $0x0, s13;
	[bflag:$0x0] =	sbarrier.arrive $0xFFFF  }
0x36: {  	[tilespmem:s3], [sflag:$0x2] =	stream.linear.gather [hbm4b:s30+s3], $0x80, $0x38;
	[tilespmem:$0x1C100] =	vst v63  }
0x37: {  	_ =	swait.ge [sflag:s15], $0x80  }
0x38: {  	[sflag:s15] =	ssyncset.done $0x0  }
0x39: {  	s31 =	sadd.s32 $0x0, s12;
	[sflag:s15] =	ssyncadd.s32 $0xFFFFFF80  }
0x3a: {  	[tilespmem:s16], [sflag:$0x2] =	stream.linear.gather [hbm4b:s31+s3], $0x80, $0x38;
	[tilespmem:$0x1C100] =	vst v63  }
0x3b: {  	_ =	swait.ge [sflag:s15], $0x80  }
0x3c: {  	[sflag:s15] =	ssyncset.done $0x0  }
0x3d: {  	[sflag:s15] =	ssyncadd.s32 $0xFFFFFF80  }
0x3e: {  	[tilespmem:s17], [sflag:$0x1] =	stream.indirect.gather [hbm4b:s4+s16], $0x80, s3, s16, $0xb8;
	[tilespmem:$0x1C100] =	vst v63  }
0x3f: {  	_ =	swait.ge [sflag:s18], $0x4000  }
0x40: {  	[sflag:s18] =	ssyncset.done $0x0  }
0x41: {  	[sflag:s18] =	ssyncadd.s32 $0xFFFFC000  }
0x42: {  	[spmem:s1] =	stream.indirect.scatter.add.f32 [tilespmem:s17], [sflag:$0x2], $0x80, s16, s16, $0xb8;
	[tilespmem:$0x1C100] =	vst v63  }
0x43: {  	_ =	swait.ge [sflag:s15], $0x4000  }
0x44: {  	s22 =	simm.s32 $0x10;
	s23 =	simm.s32 $0x20;
	[sflag:s15] =	ssyncset.done $0x0  }
.LBB2_4:
0x45: {  	s24 =	sadd.s32 s22, s13  }
0x46: {  	[sflag:s15] =	ssyncadd.s32 $0xFFFFC000;
	s25 =	smov.u32 s23;
	s26 =	sadd.s32 $0x10, s23  }
0x47: {  	[tilespmem:s3], [sflag:$0x2] =	stream.linear.gather [hbm4b:s24+s3], $0x80, $0x38;
	[tilespmem:$0x1C100] =	vst v63  }
0x48: {  	p0 =	sne.s32 s23, $0x4E0;
	_ =	swait.ge [sflag:s15], $0x80  }
0x49: {  	[sflag:s15] =	ssyncset.done $0x0  }
0x4a: {  	s23 =	sadd.s32 s22, s12;
	s22 =	smov.u32 s25;
	[sflag:s15] =	ssyncadd.s32 $0xFFFFFF80  }
0x4b: {  	[tilespmem:s16], [sflag:$0x2] =	stream.linear.gather [hbm4b:s23+s3], $0x80, $0x38;
	[tilespmem:$0x1C100] =	vst v63  }
0x4c: {  	_ =	swait.ge [sflag:s15], $0x80  }
0x4d: {  	[sflag:s15] =	ssyncset.done $0x0  }
0x4e: {  	[sflag:s15] =	ssyncadd.s32 $0xFFFFFF80  }
0x4f: {  	[tilespmem:s17], [sflag:$0x1] =	stream.indirect.gather [hbm4b:s4+s16], $0x80, s3, s16, $0xb8;
	[tilespmem:$0x1C100] =	vst v63  }
0x50: {  	_ =	swait.ge [sflag:s18], $0x4000  }
.Ltmp1:
0x51: {  	[sflag:s18] =	ssyncset.done $0x0;
	(pc) =	sbr.rel @p0 .LBB2_4-.Ltmp1, $4  }
0x52: {  	[sflag:s18] =	ssyncadd.s32 $0xFFFFC000  }
0x53: {  	[spmem:s1] =	stream.indirect.scatter.add.f32 [tilespmem:s17], [sflag:$0x2], $0x80, s16, s16, $0xb8;
	[tilespmem:$0x1C100] =	vst v63  }
0x54: {  	_ =	swait.ge [sflag:s15], $0x4000  }
0x55: {  	s23 =	smov.u32 s26;
	[sflag:s15] =	ssyncset.done $0x0  }
0x56: {  	s23 =	sadd.s32 s22, s13;
	[sflag:s15] =	ssyncadd.s32 $0xFFFFC000  }
0x57: {  	[tilespmem:s3], [sflag:$0x2] =	stream.linear.gather [hbm4b:s23+s3], $0x80, $0x38;
	[tilespmem:$0x1C100] =	vst v63  }
0x58: {  	_ =	swait.ge [sflag:s15], $0x80  }
0x59: {  	[sflag:s15] =	ssyncset.done $0x0  }
0x5a: {  	s31 =	sadd.s32 s22, s12;
	[sflag:s15] =	ssyncadd.s32 $0xFFFFFF80  }
0x5b: {  	[tilespmem:s16], [sflag:$0x2] =	stream.linear.gather [hbm4b:s31+s3], $0x80, $0x38;
	[tilespmem:$0x1C100] =	vst v63  }
0x5c: {  	_ =	swait.ge [sflag:s15], $0x80  }
0x5d: {  	[sflag:s15] =	ssyncset.done $0x0  }
0x5e: {  	[sflag:s15] =	ssyncadd.s32 $0xFFFFFF80  }
0x5f: {  	[tilespmem:s17], [sflag:$0x1] =	stream.indirect.gather [hbm4b:s4+s16], $0x80, s3, s16, $0xb8;
	[tilespmem:$0x1C100] =	vst v63  }
0x60: {  	_ =	swait.ge [sflag:s18], $0x4000  }
0x61: {  	[sflag:s18] =	ssyncset.done $0x0  }
0x62: {  	[sflag:s18] =	ssyncadd.s32 $0xFFFFC000  }
0x63: {  	[spmem:s1] =	stream.indirect.scatter.add.f32 [tilespmem:s17], [sflag:$0x2], $0x80, s16, s16, $0xb8;
	[tilespmem:$0x1C100] =	vst v63  }
0x64: {  	_ =	swait.ge [sflag:s15], $0x4000  }
0x65: {  	s21 =	sadd.s32 $0x1, s21;
	[sflag:s15] =	ssyncset.done $0x0  }
0x66: {  	p0 =	sne.s32 s21, s7;
	[sflag:s15] =	ssyncadd.s32 $0xFFFFC000  }
.Ltmp2:
0x67: {  	[bflag:$0x0] =	sbarrier.arrive $0xFFFF;
	(pc) =	sbr.rel @p0 .LBB2_1-.Ltmp2, $4  }
0x68: {  	[hbm:s6], [sflag:s19] =	dma.local [spmem:s20], $0x2800  }
0x69: {  	_ =	swait.ge [sflag:s15], $0x2800  }
0x6a: {  	[sflag:s15] =	ssyncset.done $0x0  }
0x6b: {  	[sflag:s15] =	ssyncadd.s32 $0xFFFFD800  }
0x6c: {  	_ =	sfence.sel $0x180000  }
0x6d: {  	[bflag:$0x0] =	sbarrier.arrive $0xFFFF  }
0x6e: {  	p0 =	sne.s32 s2, $0x0;
	_ =	strace $0x9000004A  }
0x6f: {  	s0 =	sadd.s32 @!p0 $0x100000, s0;
	[bflag:$0x2] =	sbarrier.arrive $0xFFFF  }
0x70: {  	[sflag:s0] =	ssyncadd.tile.s32 @!p0 $0x1;
	_ =	shalt  }
.Lfunc_end2:
_tile_overlayer_lowered:
.L_overlay_start_2:
0x71: {  	(tag) =	ssettag $0x2  }
0x72: {  	s0 =	rddreg [dreg:$0x0];
	s2 =	stileid.u32  }
0x73: {  	s1 =	rddreg [dreg:$0x1];
	p0 =	sne.s32 s2, $0x0  }
0x74: {  	s3 =	rddreg [dreg:$0x2];
	[bflag:$0x3] =	sbarrier.arrive $0xFFFF;
	s2 =	simm.s32 @!p0 $0x1C02  }
0x75: {  	[timem:s3], [sflag:s2] =	dma.local @!p0 [hbm:s0], s1  }
0x76: {  	s0 =	simm.s32 @!p0 $0x2  }
0x77: {  	_ =	swait.ge @!p0 [sflag:s0], s1  }
0x78: {  	s1 =	ssub.s32 @!p0 $0x0, s1;
	[sflag:s0] =	ssyncset.done @!p0 $0x0  }
0x79: {  	[sflag:s0] =	ssyncadd.s32 @!p0 s1  }
0x7a: {  	[bflag:$0x3] =	sbarrier.arrive $0xFFFF  }
0x7b: {  	_ =	shalt  }

// kernel: kernel.15.cloned.1.call-start
scs
__scs_entry_jumppad:
0x0: {  	(pc) =	sbr.rel $0x88, $3  }
0x1: {  	(tag) =	ssettag $0x0;
	lr =	simm.s32 $0x1  }
0x2: {  	[smem:$0x3F92] =	sst lr;
	_ =	strace $0xD0000000  }
0x3: {  	_ = 	snop  }
0x4: {  	_ = 	snop  }
0x5: {  	_ = 	snop  }
0x6: {  	_ = 	snop  }
0x7: {  	_ = 	snop  }
__scs_overlays_trampoline_lowered:
0x8: {  	[smem:$0x3FA1] =	sst s0  }
0x9: {  	[smem:$0x3FA2] =	sst s1  }
0xa: {  	[smem:$0x3FA3] =	sst s2  }
0xb: {  	[smem:$0x3FA4] =	sst s3  }
0xc: {  	[smem:$0x3FA5] =	sst s4  }
0xd: {  	[smem:$0x3FA6] =	sst s5  }
0xe: {  	[smem:$0x3FA7] =	sst s6  }
0xf: {  	[smem:$0x3FA8] =	sst s7  }
0x10: {  	[smem:$0x3FA9] =	sst s8  }
0x11: {  	[smem:$0x3FAA] =	sst s9;
	s0 =	simm.s32 @!p0 $0x0  }
0x12: {  	s1 =	sld [smem:$0x3F90];
	s0 =	simm.s32 @p0 $0x1  }
0x13: {  	[smem:$0x3FAB] =	sst s0;
	s0 =	simm.s32 @!p1 $0x0  }
0x14: {  	s2 =	sld [smem:$0x3F8F];
	s0 =	simm.s32 @p1 $0x1  }
0x15: {  	[smem:$0x3FAC] =	sst s0;
	s0 =	simm.s32 @!p2 $0x0  }
0x16: {  	s3 =	sld [smem:$0x3FDB];
	s0 =	simm.s32 @p2 $0x1  }
0x17: {  	s4 =	simm.s32 $0x1BF5;
	[smem:$0x3FAE] =	sst s0  }
0x18: {  	s0 =	sld [smem:$0x3F91];
	_ =	swait.ge [sflag:s4], $0x0  }
0x19: {  	s7 =	sld [smem:$0x3F92]  }
0x1a: {  	s8 =	sadd.s32 $0xFFFFE003, lr  }
0x1b: {  	s9 =	sadd.s32 $0xFFFFFEF7, lr;
	s5 =	simm.s32 $0xFFFFFFFF;
	p2 =	slt.u32 s8, $0xFFFFF086  }
0x1c: {  	p1 =	slt.u32 s9, $0xF7A;
	s5 =	simm.s32 @!p2 $0x0  }
0x1d: {  	s5 =	simm.s32 @p1 $0x1;
	p0 =	seq.s32 s7, s2  }
0x1e: {  	s7 =	smul.u32 @!p0 $0xF7A, s2;
	p2 =	seq.s32 @!p0 s5, $0x0  }
0x1f: {  	s9 =	smul.u32 $0xF7A, s1;
	s8 =	simm.s32 @!p0 $0x1BF5;
	p2 =	por !p2, p0  }
0x20: {  	[sflag:s8] =	ssyncset.s32 @!p0 $0xFFFFF086;
	s6 =	sadd.s32 @!p0 s3, s7;
	s7 =	simm.s32 @!p0 $0x108  }
0x21: {  	s3 =	sadd.s32 s3, s9;
	s6 =	sadd.s32 @!p0 $0x88, s6;
	s7 =	simm.s32 @p2 $0x1082  }
0x22: {  	[simem:s7], [sflag:s8] =	dma.local @!p0 [hbm:s6], $0xF7A  }
0x23: {  	s9 =	sor.u32 $0xD0000000, s2;
	s6 =	simm.s32 $0x108;
	_ =	swait.ge @!p0 [sflag:s8], $0x0  }
0x24: {  	s3 =	sadd.s32 $0x88, s3;
	s6 =	simm.s32 @!p1 $0x1082;
	[sflag:s4] =	ssyncset.s32 $0xFFFFF086  }
0x25: {  	[simem:s6], [sflag:s4] =	dma.local [hbm:s3], $0xF7A  }
0x26: {  	[smem:$0x3F92] =	sst s1;
	(tag) =	ssettag s2;
	_ =	strace s9  }
0x27: {  	s1 =	sld [smem:$0x3FA2]  }
0x28: {  	s2 =	sld [smem:$0x3FA3]  }
0x29: {  	s4 =	sld [smem:$0x3FA5]  }
0x2a: {  	p0 =	seq.s32 s5, $0x0;
	s5 =	sld [smem:$0x3FA6]  }
0x2b: {  	s6 =	sld [smem:$0x3FA7]  }
0x2c: {  	s7 =	sld [smem:$0x3FA8]  }
0x2d: {  	s3 =	simm.s32 $0x108;
	s8 =	sld [smem:$0x3FA9]  }
0x2e: {  	s3 =	simm.s32 @!p0 $0x1082;
	s9 =	sld [smem:$0x3FAA]  }
0x2f: {  	lr =	sadd.s32 s0, s3;
	s0 =	sld [smem:$0x3FA1]  }
0x30: {  	s3 =	sld [smem:$0x3FA4]  }
0x31: {  	[smem:$0x3FAD] =	sst s10  }
0x32: {  	s10 =	sld [smem:$0x3FAB];
	_ =	sdelay $0x3  }
0x33: {  	p0 =	seq.s32 s10, $0x1;
	s10 =	sld [smem:$0x3FAD];
	_ =	sdelay $0x3  }
0x34: {  	[smem:$0x3FAD] =	sst s10  }
0x35: {  	s10 =	sld [smem:$0x3FAC];
	_ =	sdelay $0x3  }
0x36: {  	p1 =	seq.s32 s10, $0x1;
	s10 =	sld [smem:$0x3FAD];
	_ =	sdelay $0x3  }
0x37: {  	[smem:$0x3FAD] =	sst s10  }
0x38: {  	s10 =	sld [smem:$0x3FAE]  }
0x39: {  	_ = 	snop;
	(pc) =	sbr.ind lr, $3  }
0x3a: {  	_ = 	snop  }
0x3b: {  	_ = 	snop  }
0x3c: {  	p2 =	seq.s32 s10, $0x1;
	s10 =	sld [smem:$0x3FAD]  }
0x3d: {  	_ =	shalt  }
0x3e: {  	_ =	shalt  }
0x3f: {  	_ =	shalt  }
0x40: {  	_ =	shalt  }
0x41: {  	_ =	shalt  }
0x42: {  	_ =	shalt  }
0x43: {  	_ =	shalt  }
0x44: {  	_ =	shalt  }
0x45: {  	_ =	shalt  }
0x46: {  	_ =	shalt  }
0x47: {  	_ =	shalt  }
0x48: {  	_ =	shalt  }
0x49: {  	_ =	shalt  }
0x4a: {  	_ =	shalt  }
0x4b: {  	_ =	shalt  }
0x4c: {  	_ =	shalt  }
0x4d: {  	_ =	shalt  }
0x4e: {  	_ =	shalt  }
0x4f: {  	_ =	shalt  }
0x50: {  	_ =	shalt  }
0x51: {  	_ =	shalt  }
0x52: {  	_ =	shalt  }
0x53: {  	_ =	shalt  }
0x54: {  	_ =	shalt  }
0x55: {  	_ =	shalt  }
0x56: {  	_ =	shalt  }
0x57: {  	_ =	shalt  }
0x58: {  	_ =	shalt  }
0x59: {  	_ =	shalt  }
0x5a: {  	_ =	shalt  }
0x5b: {  	_ =	shalt  }
0x5c: {  	_ =	shalt  }
0x5d: {  	_ =	shalt  }
0x5e: {  	_ =	shalt  }
0x5f: {  	_ =	shalt  }
0x60: {  	_ =	shalt  }
0x61: {  	_ =	shalt  }
0x62: {  	_ =	shalt  }
0x63: {  	_ =	shalt  }
0x64: {  	_ =	shalt  }
0x65: {  	_ =	shalt  }
0x66: {  	_ =	shalt  }
0x67: {  	_ =	shalt  }
0x68: {  	_ =	shalt  }
0x69: {  	_ =	shalt  }
0x6a: {  	_ =	shalt  }
0x6b: {  	_ =	shalt  }
0x6c: {  	_ =	shalt  }
0x6d: {  	_ =	shalt  }
0x6e: {  	_ =	shalt  }
0x6f: {  	_ =	shalt  }
0x70: {  	_ =	shalt  }
0x71: {  	_ =	shalt  }
0x72: {  	_ =	shalt  }
0x73: {  	_ =	shalt  }
0x74: {  	_ =	shalt  }
0x75: {  	_ =	shalt  }
0x76: {  	_ =	shalt  }
0x77: {  	_ =	shalt  }
0x78: {  	_ =	shalt  }
0x79: {  	_ =	shalt  }
0x7a: {  	_ =	shalt  }
0x7b: {  	_ =	shalt  }
0x7c: {  	_ =	shalt  }
0x7d: {  	_ =	shalt  }
0x7e: {  	_ =	shalt  }
0x7f: {  	_ =	shalt  }
0x80: {  	_ =	shalt  }
0x81: {  	_ =	shalt  }
0x82: {  	_ =	shalt  }
0x83: {  	_ =	shalt  }
0x84: {  	_ =	shalt  }
0x85: {  	_ =	shalt  }
0x86: {  	_ =	shalt  }
0x87: {  	_ =	shalt  }
.Lfunc_end0:
.L_simem_size_0:
called_computation.2_lowered:
.L_overlay_start_0:
0x88: {  	s2 =	sld [smem:$0x3FD9]  }
0x89: {  	s3 =	sld [smem:$0x3FFE];
	_ =	sdelay $0x1  }
0x8a: {  	s1 =	srdreg.scid  }
0x8b: {  	s0 =	sand.u32 $0x1, s1  }
0x8c: {  	s16 =	sshll.u32 s0, $0xA;
	s2 =	sadd.s32 s3, s2  }
0x8d: {  	s2 =	sadd.s32 s2, s16  }
0x8e: {  	[smem:$0x3FB9] =	sst s2  }
0x8f: {  	_ = 	snop  }
0x90: {  	(tm) =	ssettm $0x1  }
0x91: {  	s17 =	sld [smem:$0x3FFB];
	_ =	sdelay $0x3  }
0x92: {  	_ =	strace s17  }
0x93: {  	s2 =	sld [smem:$0x3FFC];
	_ =	sdelay $0x3  }
0x94: {  	_ =	strace s2  }
0x95: {  	s2 =	sld [smem:$0x3FFD];
	_ =	sdelay $0x3  }
0x96: {  	_ =	strace s2  }
0x97: {  	_ =	strace $0x8FFFFFFF  }
0x98: {  	s18 =	sld [smem:$0x3FDB];
	_ =	sdelay $0x1  }
0x99: {  	s19 =	simm.s32 $_scs_section_size  }
0x9a: {  	s4 =	simm.s32 $_size__tile_overlayer_lowered;
	s5 =	simm.s32 $_tile_overlayer_lowered  }
0x9b: {  	s22 =	simm.s32 $0x1BFF;
	s21 =	sshll.u32 s5, $0x1;
	s2 =	sadd.s32 s19, s18  }
0x9c: {  	s6 =	simm.s32 $0x0;
	s20 =	sshll.u32 s4, $0x1;
	s4 =	sadd.s32 s21, s2  }
0x9d: {  	[timem:s6], [sflag:s22] =	dma.local [hbm:s4], s20  }
0x9e: {  	_ =	swait.ge [sflag:s22], s20  }
0x9f: {  	s3 =	ssub.s32 $0x0, s20;
	[sflag:s22] =	ssyncset.done $0x0  }
0xa0: {  	[sflag:s22] =	ssyncadd.s32 s3;
	_ =	sdelay $0x1  }
0xa1: {  	s23 =	simm.s32 $0x1B8B  }
0xa2: {  	_ =	swait.ge [sflag:s23], $0x1  }
0xa3: {  	[sflag:s23] =	ssyncset.done $0x0  }
0xa4: {  	s25 =	simm.s32 $0x1B8E;
	s24 =	sld [smem:$0x3FFE];
	[sflag:s23] =	ssyncadd.s32 $0xFFFFFFFF  }
0xa5: {  	s26 =	simm.s32 $execute0_lowered;
	[smem:$0x3FD2] =	sst s25  }
0xa6: {  	s4 =	sshll.u32 s26, $0x1;
	_ =	strace $0x8000004C;
	[dreg:$0x1] =	wrdreg $0xFFFFFFFF  }
0xa7: {  	s28 =	simm.s32 $_size_execute0_lowered;
	s2 =	sadd.s32 s2, s4;
	[dreg:$0x0] =	wrdreg $0x0  }
0xa8: {  	s4 =	sshll.u32 s28, $0x1;
	[dreg:$0x2] =	wrdreg s2  }
0xa9: {  	[dreg:$0x3] =	wrdreg s4  }
0xaa: {  	[dreg:$0x4] =	wrdreg $0xC0  }
0xab: {  	_ =	task [dreg:s6], $0x5FFFF  }
0xac: {  	[dreg:$0x1] =	wrdreg $0xFFFFFFFF  }
0xad: {  	[dreg:$0x0] =	wrdreg $0x60  }
0xae: {  	[dreg:$0x2] =	wrdreg s24  }
0xaf: {  	[dreg:$0x3] =	wrdreg $0x81000  }
0xb0: {  	[dreg:$0x4] =	wrdreg $0x9  }
0xb1: {  	_ =	task.clear_ibuf [dreg:s6], $0x5FFFF;
	_ =	strace $0x9000004C  }
0xb2: {  	s29 =	simm.s32 $0x9;
	_ =	strace $0x8000004E  }
0xb3: {  	_ =	swait.ge [sflag:s29], $0x1  }
0xb4: {  	[sflag:s29] =	ssyncadd.s32 $0xFFFFFFFF  }
0xb5: {  	_ =	strace $0x9000004E  }
0xb6: {  	_ =	sfence  }
0xb7: {  	s30 =	sld [smem:$0x0];
	_ =	sdelay $0x2  }
0xb8: {  	s31 =	sshll.u32 s1, $0xD;
	s1 =	sshrl.u32 s1, $0x2  }
0xb9: {  	s3 =	sand.u32 $0x4000, s31;
	s1 =	sadd.s32 s1, s30  }
0xba: {  	s0 =	sor.u32 s3, s0;
	s1 =	sshll.u32 s1, $0x11  }
0xbb: {  	s0 =	sor.u32 s1, s0  }
0xbc: {  	s0 =	sadd.s32 $0x8F2B, s0  }
0xbd: {  	[sflag:s0] =	ssyncadd.remote.s32 $0x1  }
0xbe: {  	_ =	sfence.sel $0xFFFF  }
0xbf: {  	[dreg:$0x0] =	wrdreg $0xFFFFFFFF;
	(pc) =	sbr.abs _section_cstart, $3  }
0xc0: {  	[dreg:$0x1] =	wrdreg $0xFFFFFFFF  }
0xc1: {  	_ =	task.clear_ibuf [dreg:s6], $0x2FFFF;
	_ =	strace $0x9FFFFFFF  }
0xc2: {  	(tm) =	ssettm $0x7FFFFFFF  }
0xc3: {  	_ =	shalt  }
tec
execute0_lowered:
.L_overlay_start_1:
0x0: {  	(tag) =	ssettag $0x1  }
0x1: {  	s5 =	rddreg [dreg:$0x0]  }
0x2: {  	s1 =	rddreg [dreg:$0x1];
	s2 =	srdreg.scid  }
0x3: {  	s0 =	rddreg [dreg:$0x2];
	s3 =	simm.s32 $0x0;
	s14 =	simm.s32 $0x4100  }
0x4: {  	s15 =	simm.s32 $0x2;
	s16 =	simm.s32 $0x80;
	s6 =	sand.u32 $0x1, s2  }
0x5: {  	s17 =	simm.s32 $0x100;
	s2 =	stileid.u32;
	s7 =	smul.u32 $0x140000, s6  }
0x6: {  	s18 =	simm.s32 $0x1;
	s21 =	simm.s32 $0x0;
	s8 =	smul.u32 $0x14000, s2  }
0x7: {  	[smem:$0x7FF] =	sst s3;
	s4 =	sadd.s32 $0x67800, s5;
	s9 =	smul.u32 $0x4F00, s6  }
0x8: {  	_ =	strace $0x8000004D;
	s29 =	smul.u32 $0x50000, s2;
	s6 =	ssub.s32 $0x2, s6  }
0x9: {  	s12 =	smul.u32 $0x4F0, s2;
	s19 =	sshll.u32 s2, $0x6;
	s30 =	sshrl.u32 s6, $0x1  }
0xa: {  	s19 =	sor.u32 $0x1C02, s19;
	s7 =	sadd.s32 s8, s7;
	s11 =	sadd.s32 s9, s5  }
0xb: {  	s8 =	sshrl.u32 s29, $0x2;
	s31 =	ssub.s32 s6, s30;
	s7 =	sshrl.u32 s7, $0x3  }
0xc: {  	s13 =	sadd.s32 s12, s11;
	s7 =	sadd.s32 s7, s5;
	s5 =	sadd.s32 s8, s1  }
0xd: {  	s12 =	sadd.s32 $0x3C00, s13;
	s13 =	sadd.s32 $0x5DA00, s13;
	s6 =	sadd.s32 $0x8F800, s7  }
0xe: {  	s7 =	smax.u32 s31, $0x1;
	s8 =	sadd.s32 $0x4000, s5;
	s9 =	sadd.s32 $0x8000, s5  }
0xf: {  	v0 =	vimm.f32 $0.0e+00;
	s10 =	sadd.s32 $0xC000, s5;
	s11 =	sadd.s32 $0x10000, s5;
	s20 =	sshrl.u32 s5, $0x3  }
.LBB2_1:
0x10: {  	s22 =	simm.s32 $0x0;
	s23 =	simm.s32 $0x200  }
.LBB2_2:
0x11: {  	p0 =	sne.s32 s23, $0xFE00;
	[tilespmem:s22+$0x4170] =	vst v0  }
0x12: {  	[tilespmem:s22+$0x4100] =	vst v0  }
0x13: {  	[tilespmem:s22+$0x4110] =	vst v0  }
.Ltmp0:
0x14: {  	[tilespmem:s22+$0x4120] =	vst v0;
	(pc) =	sbr.rel @p0 .LBB2_2-.Ltmp0, $4  }
0x15: {  	[tilespmem:s22+$0x4130] =	vst v0  }
0x16: {  	[tilespmem:s22+$0x4140] =	vst v0  }
0x17: {  	[tilespmem:s22+$0x4150] =	vst v0  }
0x18: {  	[tilespmem:s22+$0x4160] =	vst v0;
	s22 =	sshra.s32 s23, $0x2;
	s23 =	sadd.s32 $0x200, s23  }
0x19: {  	[tilespmem:s22+$0x4170] =	vst v0  }
0x1a: {  	[tilespmem:s22+$0x4100] =	vst v0  }
0x1b: {  	[tilespmem:s22+$0x4110] =	vst v0  }
0x1c: {  	[tilespmem:s22+$0x4120] =	vst v0  }
0x1d: {  	[tilespmem:s22+$0x4130] =	vst v0  }
0x1e: {  	[tilespmem:s22+$0x4140] =	vst v0  }
0x1f: {  	[tilespmem:s22+$0x4150] =	vst v0  }
0x20: {  	[tilespmem:s22+$0x4160] =	vst v0  }
0x21: {  	[spmem:s5] =	stream.linear.scatter [tilespmem:s14], [sflag:$0x2], $0x4000, $0x38;
	[tilespmem:$0x1C100] =	vst v63  }
0x22: {  	_ =	swait.ge [sflag:s15], $0x4000  }
0x23: {  	[sflag:s15] =	ssyncset.done $0x0  }
0x24: {  	[sflag:s15] =	ssyncadd.s32 $0xFFFFC000  }
0x25: {  	[spmem:s8] =	stream.linear.scatter [tilespmem:s14], [sflag:$0x2], $0x4000, $0x38;
	[tilespmem:$0x1C100] =	vst v63  }
0x26: {  	_ =	swait.ge [sflag:s15], $0x4000  }
0x27: {  	[sflag:s15] =	ssyncset.done $0x0  }
0x28: {  	[sflag:s15] =	ssyncadd.s32 $0xFFFFC000  }
0x29: {  	[spmem:s9] =	stream.linear.scatter [tilespmem:s14], [sflag:$0x2], $0x4000, $0x38;
	[tilespmem:$0x1C100] =	vst v63  }
0x2a: {  	_ =	swait.ge [sflag:s15], $0x4000  }
0x2b: {  	[sflag:s15] =	ssyncset.done $0x0  }
0x2c: {  	[sflag:s15] =	ssyncadd.s32 $0xFFFFC000  }
0x2d: {  	[spmem:s10] =	stream.linear.scatter [tilespmem:s14], [sflag:$0x2], $0x4000, $0x38;
	[tilespmem:$0x1C100] =	vst v63  }
0x2e: {  	_ =	swait.ge [sflag:s15], $0x4000  }
0x2f: {  	[sflag:s15] =	ssyncset.done $0x0  }
0x30: {  	[sflag:s15] =	ssyncadd.s32 $0xFFFFC000  }
0x31: {  	[spmem:s11] =	stream.linear.scatter [tilespmem:s14], [sflag:$0x2], $0x4000, $0x38;
	[tilespmem:$0x1C100] =	vst v63  }
0x32: {  	_ =	swait.ge [sflag:s15], $0x4000  }
0x33: {  	[sflag:s15] =	ssyncset.done $0x0  }
0x34: {  	[sflag:s15] =	ssyncadd.s32 $0xFFFFC000  }
0x35: {  	s30 =	sadd.s32 $0x0, s13;
	[bflag:$0x0] =	sbarrier.arrive $0xFFFF  }
0x36: {  	[tilespmem:s3], [sflag:$0x2] =	stream.linear.gather [hbm4b:s30+s3], $0x80, $0x38;
	[tilespmem:$0x1C100] =	vst v63  }
0x37: {  	_ =	swait.ge [sflag:s15], $0x80  }
0x38: {  	[sflag:s15] =	ssyncset.done $0x0  }
0x39: {  	s31 =	sadd.s32 $0x0, s12;
	[sflag:s15] =	ssyncadd.s32 $0xFFFFFF80  }
0x3a: {  	[tilespmem:s16], [sflag:$0x2] =	stream.linear.gather [hbm4b:s31+s3], $0x80, $0x38;
	[tilespmem:$0x1C100] =	vst v63  }
0x3b: {  	_ =	swait.ge [sflag:s15], $0x80  }
0x3c: {  	[sflag:s15] =	ssyncset.done $0x0  }
0x3d: {  	[sflag:s15] =	ssyncadd.s32 $0xFFFFFF80  }
0x3e: {  	[tilespmem:s17], [sflag:$0x1] =	stream.indirect.gather [hbm4b:s4+s16], $0x80, s3, s16, $0xb8;
	[tilespmem:$0x1C100] =	vst v63  }
0x3f: {  	_ =	swait.ge [sflag:s18], $0x4000  }
0x40: {  	[sflag:s18] =	ssyncset.done $0x0  }
0x41: {  	[sflag:s18] =	ssyncadd.s32 $0xFFFFC000  }
0x42: {  	[spmem:s1] =	stream.indirect.scatter.add.f32 [tilespmem:s17], [sflag:$0x2], $0x80, s16, s16, $0xb8;
	[tilespmem:$0x1C100] =	vst v63  }
0x43: {  	_ =	swait.ge [sflag:s15], $0x4000  }
0x44: {  	s22 =	simm.s32 $0x10;
	s23 =	simm.s32 $0x20;
	[sflag:s15] =	ssyncset.done $0x0  }
.LBB2_4:
0x45: {  	s24 =	sadd.s32 s22, s13  }
0x46: {  	[sflag:s15] =	ssyncadd.s32 $0xFFFFC000;
	s25 =	smov.u32 s23;
	s26 =	sadd.s32 $0x10, s23  }
0x47: {  	[tilespmem:s3], [sflag:$0x2] =	stream.linear.gather [hbm4b:s24+s3], $0x80, $0x38;
	[tilespmem:$0x1C100] =	vst v63  }
0x48: {  	p0 =	sne.s32 s23, $0x4E0;
	_ =	swait.ge [sflag:s15], $0x80  }
0x49: {  	[sflag:s15] =	ssyncset.done $0x0  }
0x4a: {  	s23 =	sadd.s32 s22, s12;
	s22 =	smov.u32 s25;
	[sflag:s15] =	ssyncadd.s32 $0xFFFFFF80  }
0x4b: {  	[tilespmem:s16], [sflag:$0x2] =	stream.linear.gather [hbm4b:s23+s3], $0x80, $0x38;
	[tilespmem:$0x1C100] =	vst v63  }
0x4c: {  	_ =	swait.ge [sflag:s15], $0x80  }
0x4d: {  	[sflag:s15] =	ssyncset.done $0x0  }
0x4e: {  	[sflag:s15] =	ssyncadd.s32 $0xFFFFFF80  }
0x4f: {  	[tilespmem:s17], [sflag:$0x1] =	stream.indirect.gather [hbm4b:s4+s16], $0x80, s3, s16, $0xb8;
	[tilespmem:$0x1C100] =	vst v63  }
0x50: {  	_ =	swait.ge [sflag:s18], $0x4000  }
.Ltmp1:
0x51: {  	[sflag:s18] =	ssyncset.done $0x0;
	(pc) =	sbr.rel @p0 .LBB2_4-.Ltmp1, $4  }
0x52: {  	[sflag:s18] =	ssyncadd.s32 $0xFFFFC000  }
0x53: {  	[spmem:s1] =	stream.indirect.scatter.add.f32 [tilespmem:s17], [sflag:$0x2], $0x80, s16, s16, $0xb8;
	[tilespmem:$0x1C100] =	vst v63  }
0x54: {  	_ =	swait.ge [sflag:s15], $0x4000  }
0x55: {  	s23 =	smov.u32 s26;
	[sflag:s15] =	ssyncset.done $0x0  }
0x56: {  	s23 =	sadd.s32 s22, s13;
	[sflag:s15] =	ssyncadd.s32 $0xFFFFC000  }
0x57: {  	[tilespmem:s3], [sflag:$0x2] =	stream.linear.gather [hbm4b:s23+s3], $0x80, $0x38;
	[tilespmem:$0x1C100] =	vst v63  }
0x58: {  	_ =	swait.ge [sflag:s15], $0x80  }
0x59: {  	[sflag:s15] =	ssyncset.done $0x0  }
0x5a: {  	s31 =	sadd.s32 s22, s12;
	[sflag:s15] =	ssyncadd.s32 $0xFFFFFF80  }
0x5b: {  	[tilespmem:s16], [sflag:$0x2] =	stream.linear.gather [hbm4b:s31+s3], $0x80, $0x38;
	[tilespmem:$0x1C100] =	vst v63  }
0x5c: {  	_ =	swait.ge [sflag:s15], $0x80  }
0x5d: {  	[sflag:s15] =	ssyncset.done $0x0  }
0x5e: {  	[sflag:s15] =	ssyncadd.s32 $0xFFFFFF80  }
0x5f: {  	[tilespmem:s17], [sflag:$0x1] =	stream.indirect.gather [hbm4b:s4+s16], $0x80, s3, s16, $0xb8;
	[tilespmem:$0x1C100] =	vst v63  }
0x60: {  	_ =	swait.ge [sflag:s18], $0x4000  }
0x61: {  	[sflag:s18] =	ssyncset.done $0x0  }
0x62: {  	[sflag:s18] =	ssyncadd.s32 $0xFFFFC000  }
0x63: {  	[spmem:s1] =	stream.indirect.scatter.add.f32 [tilespmem:s17], [sflag:$0x2], $0x80, s16, s16, $0xb8;
	[tilespmem:$0x1C100] =	vst v63  }
0x64: {  	_ =	swait.ge [sflag:s15], $0x4000  }
0x65: {  	s21 =	sadd.s32 $0x1, s21;
	[sflag:s15] =	ssyncset.done $0x0  }
0x66: {  	p0 =	sne.s32 s21, s7;
	[sflag:s15] =	ssyncadd.s32 $0xFFFFC000  }
.Ltmp2:
0x67: {  	[bflag:$0x0] =	sbarrier.arrive $0xFFFF;
	(pc) =	sbr.rel @p0 .LBB2_1-.Ltmp2, $4  }
0x68: {  	[hbm:s6], [sflag:s19] =	dma.local [spmem:s20], $0x2800  }
0x69: {  	_ =	swait.ge [sflag:s15], $0x2800  }
0x6a: {  	[sflag:s15] =	ssyncset.done $0x0  }
0x6b: {  	[sflag:s15] =	ssyncadd.s32 $0xFFFFD800  }
0x6c: {  	_ =	sfence.sel $0x180000  }
0x6d: {  	[bflag:$0x0] =	sbarrier.arrive $0xFFFF  }
0x6e: {  	p0 =	sne.s32 s2, $0x0;
	_ =	strace $0x9000004D  }
0x6f: {  	s0 =	sadd.s32 @!p0 $0x100000, s0;
	[bflag:$0x2] =	sbarrier.arrive $0xFFFF  }
0x70: {  	[sflag:s0] =	ssyncadd.tile.s32 @!p0 $0x1;
	_ =	shalt  }
.Lfunc_end2:
_tile_overlayer_lowered:
.L_overlay_start_2:
0x71: {  	(tag) =	ssettag $0x2  }
0x72: {  	s0 =	rddreg [dreg:$0x0];
	s2 =	stileid.u32  }
0x73: {  	s1 =	rddreg [dreg:$0x1];
	p0 =	sne.s32 s2, $0x0  }
0x74: {  	s3 =	rddreg [dreg:$0x2];
	[bflag:$0x3] =	sbarrier.arrive $0xFFFF;
	s2 =	simm.s32 @!p0 $0x1C02  }
0x75: {  	[timem:s3], [sflag:s2] =	dma.local @!p0 [hbm:s0], s1  }
0x76: {  	s0 =	simm.s32 @!p0 $0x2  }
0x77: {  	_ =	swait.ge @!p0 [sflag:s0], s1  }
0x78: {  	s1 =	ssub.s32 @!p0 $0x0, s1;
	[sflag:s0] =	ssyncset.done @!p0 $0x0  }
0x79: {  	[sflag:s0] =	ssyncadd.s32 @!p0 s1  }
0x7a: {  	[bflag:$0x3] =	sbarrier.arrive $0xFFFF  }
0x7b: {  	_ =	shalt  }

// kernel: kernel.9.cloned.1.call-start
scs
__scs_entry_jumppad:
0x0: {  	(pc) =	sbr.rel $0x88, $3  }
0x1: {  	(tag) =	ssettag $0x0;
	lr =	simm.s32 $0x1  }
0x2: {  	[smem:$0x3F92] =	sst lr;
	_ =	strace $0xD0000000  }
0x3: {  	_ = 	snop  }
0x4: {  	_ = 	snop  }
0x5: {  	_ = 	snop  }
0x6: {  	_ = 	snop  }
0x7: {  	_ = 	snop  }
__scs_overlays_trampoline_lowered:
0x8: {  	[smem:$0x3FA1] =	sst s0  }
0x9: {  	[smem:$0x3FA2] =	sst s1  }
0xa: {  	[smem:$0x3FA3] =	sst s2  }
0xb: {  	[smem:$0x3FA4] =	sst s3  }
0xc: {  	[smem:$0x3FA5] =	sst s4  }
0xd: {  	[smem:$0x3FA6] =	sst s5  }
0xe: {  	[smem:$0x3FA7] =	sst s6  }
0xf: {  	[smem:$0x3FA8] =	sst s7  }
0x10: {  	[smem:$0x3FA9] =	sst s8  }
0x11: {  	[smem:$0x3FAA] =	sst s9;
	s0 =	simm.s32 @!p0 $0x0  }
0x12: {  	s1 =	sld [smem:$0x3F90];
	s0 =	simm.s32 @p0 $0x1  }
0x13: {  	[smem:$0x3FAB] =	sst s0;
	s0 =	simm.s32 @!p1 $0x0  }
0x14: {  	s2 =	sld [smem:$0x3F8F];
	s0 =	simm.s32 @p1 $0x1  }
0x15: {  	[smem:$0x3FAC] =	sst s0;
	s0 =	simm.s32 @!p2 $0x0  }
0x16: {  	s3 =	sld [smem:$0x3FDB];
	s0 =	simm.s32 @p2 $0x1  }
0x17: {  	s4 =	simm.s32 $0x1BF5;
	[smem:$0x3FAE] =	sst s0  }
0x18: {  	s0 =	sld [smem:$0x3F91];
	_ =	swait.ge [sflag:s4], $0x0  }
0x19: {  	s7 =	sld [smem:$0x3F92]  }
0x1a: {  	s8 =	sadd.s32 $0xFFFFE003, lr  }
0x1b: {  	s9 =	sadd.s32 $0xFFFFFEF7, lr;
	s5 =	simm.s32 $0xFFFFFFFF;
	p2 =	slt.u32 s8, $0xFFFFF086  }
0x1c: {  	p1 =	slt.u32 s9, $0xF7A;
	s5 =	simm.s32 @!p2 $0x0  }
0x1d: {  	s5 =	simm.s32 @p1 $0x1;
	p0 =	seq.s32 s7, s2  }
0x1e: {  	s7 =	smul.u32 @!p0 $0xF7A, s2;
	p2 =	seq.s32 @!p0 s5, $0x0  }
0x1f: {  	s9 =	smul.u32 $0xF7A, s1;
	s8 =	simm.s32 @!p0 $0x1BF5;
	p2 =	por !p2, p0  }
0x20: {  	[sflag:s8] =	ssyncset.s32 @!p0 $0xFFFFF086;
	s6 =	sadd.s32 @!p0 s3, s7;
	s7 =	simm.s32 @!p0 $0x108  }
0x21: {  	s3 =	sadd.s32 s3, s9;
	s6 =	sadd.s32 @!p0 $0x88, s6;
	s7 =	simm.s32 @p2 $0x1082  }
0x22: {  	[simem:s7], [sflag:s8] =	dma.local @!p0 [hbm:s6], $0xF7A  }
0x23: {  	s9 =	sor.u32 $0xD0000000, s2;
	s6 =	simm.s32 $0x108;
	_ =	swait.ge @!p0 [sflag:s8], $0x0  }
0x24: {  	s3 =	sadd.s32 $0x88, s3;
	s6 =	simm.s32 @!p1 $0x1082;
	[sflag:s4] =	ssyncset.s32 $0xFFFFF086  }
0x25: {  	[simem:s6], [sflag:s4] =	dma.local [hbm:s3], $0xF7A  }
0x26: {  	[smem:$0x3F92] =	sst s1;
	(tag) =	ssettag s2;
	_ =	strace s9  }
0x27: {  	s1 =	sld [smem:$0x3FA2]  }
0x28: {  	s2 =	sld [smem:$0x3FA3]  }
0x29: {  	s4 =	sld [smem:$0x3FA5]  }
0x2a: {  	p0 =	seq.s32 s5, $0x0;
	s5 =	sld [smem:$0x3FA6]  }
0x2b: {  	s6 =	sld [smem:$0x3FA7]  }
0x2c: {  	s7 =	sld [smem:$0x3FA8]  }
0x2d: {  	s3 =	simm.s32 $0x108;
	s8 =	sld [smem:$0x3FA9]  }
0x2e: {  	s3 =	simm.s32 @!p0 $0x1082;
	s9 =	sld [smem:$0x3FAA]  }
0x2f: {  	lr =	sadd.s32 s0, s3;
	s0 =	sld [smem:$0x3FA1]  }
0x30: {  	s3 =	sld [smem:$0x3FA4]  }
0x31: {  	[smem:$0x3FAD] =	sst s10  }
0x32: {  	s10 =	sld [smem:$0x3FAB];
	_ =	sdelay $0x3  }
0x33: {  	p0 =	seq.s32 s10, $0x1;
	s10 =	sld [smem:$0x3FAD];
	_ =	sdelay $0x3  }
0x34: {  	[smem:$0x3FAD] =	sst s10  }
0x35: {  	s10 =	sld [smem:$0x3FAC];
	_ =	sdelay $0x3  }
0x36: {  	p1 =	seq.s32 s10, $0x1;
	s10 =	sld [smem:$0x3FAD];
	_ =	sdelay $0x3  }
0x37: {  	[smem:$0x3FAD] =	sst s10  }
0x38: {  	s10 =	sld [smem:$0x3FAE]  }
0x39: {  	_ = 	snop;
	(pc) =	sbr.ind lr, $3  }
0x3a: {  	_ = 	snop  }
0x3b: {  	_ = 	snop  }
0x3c: {  	p2 =	seq.s32 s10, $0x1;
	s10 =	sld [smem:$0x3FAD]  }
0x3d: {  	_ =	shalt  }
0x3e: {  	_ =	shalt  }
0x3f: {  	_ =	shalt  }
0x40: {  	_ =	shalt  }
0x41: {  	_ =	shalt  }
0x42: {  	_ =	shalt  }
0x43: {  	_ =	shalt  }
0x44: {  	_ =	shalt  }
0x45: {  	_ =	shalt  }
0x46: {  	_ =	shalt  }
0x47: {  	_ =	shalt  }
0x48: {  	_ =	shalt  }
0x49: {  	_ =	shalt  }
0x4a: {  	_ =	shalt  }
0x4b: {  	_ =	shalt  }
0x4c: {  	_ =	shalt  }
0x4d: {  	_ =	shalt  }
0x4e: {  	_ =	shalt  }
0x4f: {  	_ =	shalt  }
0x50: {  	_ =	shalt  }
0x51: {  	_ =	shalt  }
0x52: {  	_ =	shalt  }
0x53: {  	_ =	shalt  }
0x54: {  	_ =	shalt  }
0x55: {  	_ =	shalt  }
0x56: {  	_ =	shalt  }
0x57: {  	_ =	shalt  }
0x58: {  	_ =	shalt  }
0x59: {  	_ =	shalt  }
0x5a: {  	_ =	shalt  }
0x5b: {  	_ =	shalt  }
0x5c: {  	_ =	shalt  }
0x5d: {  	_ =	shalt  }
0x5e: {  	_ =	shalt  }
0x5f: {  	_ =	shalt  }
0x60: {  	_ =	shalt  }
0x61: {  	_ =	shalt  }
0x62: {  	_ =	shalt  }
0x63: {  	_ =	shalt  }
0x64: {  	_ =	shalt  }
0x65: {  	_ =	shalt  }
0x66: {  	_ =	shalt  }
0x67: {  	_ =	shalt  }
0x68: {  	_ =	shalt  }
0x69: {  	_ =	shalt  }
0x6a: {  	_ =	shalt  }
0x6b: {  	_ =	shalt  }
0x6c: {  	_ =	shalt  }
0x6d: {  	_ =	shalt  }
0x6e: {  	_ =	shalt  }
0x6f: {  	_ =	shalt  }
0x70: {  	_ =	shalt  }
0x71: {  	_ =	shalt  }
0x72: {  	_ =	shalt  }
0x73: {  	_ =	shalt  }
0x74: {  	_ =	shalt  }
0x75: {  	_ =	shalt  }
0x76: {  	_ =	shalt  }
0x77: {  	_ =	shalt  }
0x78: {  	_ =	shalt  }
0x79: {  	_ =	shalt  }
0x7a: {  	_ =	shalt  }
0x7b: {  	_ =	shalt  }
0x7c: {  	_ =	shalt  }
0x7d: {  	_ =	shalt  }
0x7e: {  	_ =	shalt  }
0x7f: {  	_ =	shalt  }
0x80: {  	_ =	shalt  }
0x81: {  	_ =	shalt  }
0x82: {  	_ =	shalt  }
0x83: {  	_ =	shalt  }
0x84: {  	_ =	shalt  }
0x85: {  	_ =	shalt  }
0x86: {  	_ =	shalt  }
0x87: {  	_ =	shalt  }
.Lfunc_end0:
.L_simem_size_0:
called_computation_lowered:
.L_overlay_start_0:
0x88: {  	s2 =	sld [smem:$0x3FD9]  }
0x89: {  	s3 =	sld [smem:$0x3FFE];
	_ =	sdelay $0x1  }
0x8a: {  	s1 =	srdreg.scid  }
0x8b: {  	s0 =	sand.u32 $0x1, s1  }
0x8c: {  	s16 =	sshll.u32 s0, $0xA;
	s2 =	sadd.s32 s3, s2  }
0x8d: {  	s2 =	sadd.s32 s2, s16  }
0x8e: {  	[smem:$0x3FB9] =	sst s2  }
0x8f: {  	_ = 	snop  }
0x90: {  	(tm) =	ssettm $0x1  }
0x91: {  	s17 =	sld [smem:$0x3FFB];
	_ =	sdelay $0x3  }
0x92: {  	_ =	strace s17  }
0x93: {  	s2 =	sld [smem:$0x3FFC];
	_ =	sdelay $0x3  }
0x94: {  	_ =	strace s2  }
0x95: {  	s2 =	sld [smem:$0x3FFD];
	_ =	sdelay $0x3  }
0x96: {  	_ =	strace s2  }
0x97: {  	_ =	strace $0x8FFFFFFF  }
0x98: {  	s18 =	sld [smem:$0x3FDB];
	_ =	sdelay $0x1  }
0x99: {  	s19 =	simm.s32 $_scs_section_size  }
0x9a: {  	s4 =	simm.s32 $_size__tile_overlayer_lowered;
	s5 =	simm.s32 $_tile_overlayer_lowered  }
0x9b: {  	s22 =	simm.s32 $0x1BFF;
	s21 =	sshll.u32 s5, $0x1;
	s2 =	sadd.s32 s19, s18  }
0x9c: {  	s6 =	simm.s32 $0x0;
	s20 =	sshll.u32 s4, $0x1;
	s4 =	sadd.s32 s21, s2  }
0x9d: {  	[timem:s6], [sflag:s22] =	dma.local [hbm:s4], s20  }
0x9e: {  	_ =	swait.ge [sflag:s22], s20  }
0x9f: {  	s3 =	ssub.s32 $0x0, s20;
	[sflag:s22] =	ssyncset.done $0x0  }
0xa0: {  	[sflag:s22] =	ssyncadd.s32 s3;
	_ =	sdelay $0x1  }
0xa1: {  	s23 =	simm.s32 $0x1B8B  }
0xa2: {  	_ =	swait.ge [sflag:s23], $0x1  }
0xa3: {  	[sflag:s23] =	ssyncset.done $0x0  }
0xa4: {  	s25 =	simm.s32 $0x1B8E;
	s24 =	sld [smem:$0x3FFE];
	[sflag:s23] =	ssyncadd.s32 $0xFFFFFFFF  }
0xa5: {  	s26 =	simm.s32 $execute0_lowered;
	[smem:$0x3FD2] =	sst s25  }
0xa6: {  	s4 =	sshll.u32 s26, $0x1;
	_ =	strace $0x80000046;
	[dreg:$0x1] =	wrdreg $0xFFFFFFFF  }
0xa7: {  	s28 =	simm.s32 $_size_execute0_lowered;
	s2 =	sadd.s32 s2, s4;
	[dreg:$0x0] =	wrdreg $0x0  }
0xa8: {  	s4 =	sshll.u32 s28, $0x1;
	[dreg:$0x2] =	wrdreg s2  }
0xa9: {  	[dreg:$0x3] =	wrdreg s4  }
0xaa: {  	[dreg:$0x4] =	wrdreg $0xC0  }
0xab: {  	_ =	task [dreg:s6], $0x5FFFF  }
0xac: {  	[dreg:$0x1] =	wrdreg $0xFFFFFFFF  }
0xad: {  	[dreg:$0x0] =	wrdreg $0x60  }
0xae: {  	[dreg:$0x2] =	wrdreg s24  }
0xaf: {  	[dreg:$0x3] =	wrdreg $0x40800  }
0xb0: {  	[dreg:$0x4] =	wrdreg $0x9  }
0xb1: {  	_ =	task.clear_ibuf [dreg:s6], $0x5FFFF;
	_ =	strace $0x90000046  }
0xb2: {  	s29 =	simm.s32 $0x9;
	_ =	strace $0x80000048  }
0xb3: {  	_ =	swait.ge [sflag:s29], $0x1  }
0xb4: {  	[sflag:s29] =	ssyncadd.s32 $0xFFFFFFFF  }
0xb5: {  	_ =	strace $0x90000048  }
0xb6: {  	_ =	sfence  }
0xb7: {  	s30 =	sld [smem:$0x0];
	_ =	sdelay $0x2  }
0xb8: {  	s31 =	sshll.u32 s1, $0xD;
	s1 =	sshrl.u32 s1, $0x2  }
0xb9: {  	s3 =	sand.u32 $0x4000, s31;
	s1 =	sadd.s32 s1, s30  }
0xba: {  	s0 =	sor.u32 s3, s0;
	s1 =	sshll.u32 s1, $0x11  }
0xbb: {  	s0 =	sor.u32 s1, s0  }
0xbc: {  	s0 =	sadd.s32 $0x8F2B, s0  }
0xbd: {  	[sflag:s0] =	ssyncadd.remote.s32 $0x1  }
0xbe: {  	_ =	sfence.sel $0xFFFF  }
0xbf: {  	[dreg:$0x0] =	wrdreg $0xFFFFFFFF;
	(pc) =	sbr.abs _section_cstart, $3  }
0xc0: {  	[dreg:$0x1] =	wrdreg $0xFFFFFFFF  }
0xc1: {  	_ =	task.clear_ibuf [dreg:s6], $0x2FFFF;
	_ =	strace $0x9FFFFFFF  }
0xc2: {  	(tm) =	ssettm $0x7FFFFFFF  }
0xc3: {  	_ =	shalt  }
tec
execute0_lowered:
.L_overlay_start_1:
0x0: {  	(tag) =	ssettag $0x1  }
0x1: {  	s4 =	rddreg [dreg:$0x0];
	s0 =	srdreg.scid  }
0x2: {  	s2 =	rddreg [dreg:$0x1];
	s1 =	stileid.u32  }
0x3: {  	s3 =	simm.s32 $0x0;
	s12 =	simm.s32 $0x80;
	s7 =	smul.u32 $0x14000, s1  }
0x4: {  	s13 =	simm.s32 $0x1;
	s16 =	simm.s32 $0x0;
	s28 =	smul.u32 $0x50000, s1  }
0x5: {  	s5 =	sand.u32 $0x1, s0;
	s0 =	rddreg [dreg:$0x2];
	s10 =	smul.u32 $0x4F0, s1  }
0x6: {  	[smem:$0x7FF] =	sst s3;
	s14 =	sshll.u32 s1, $0x6;
	s6 =	smul.u32 $0x140000, s5  }
0x7: {  	_ =	strace $0x80000047;
	s8 =	smul.u32 $0x4F00, s5;
	s5 =	ssub.s32 $0x2, s5  }
0x8: {  	s14 =	sor.u32 $0x1C01, s14;
	s29 =	sshrl.u32 s5, $0x1;
	s6 =	sadd.s32 s7, s6  }
0x9: {  	s31 =	sshrl.u32 s28, $0x2;
	s9 =	sadd.s32 s8, s4;
	s6 =	sshrl.u32 s6, $0x3  }
0xa: {  	s30 =	ssub.s32 s5, s29;
	s11 =	sadd.s32 s10, s9;
	s6 =	sadd.s32 s6, s4  }
0xb: {  	s4 =	sadd.s32 s31, s2;
	s11 =	sadd.s32 $0x3C00, s11;
	s5 =	sadd.s32 $0xDA00, s6  }
0xc: {  	s6 =	smax.u32 s30, $0x1;
	s7 =	sadd.s32 $0x4000, s4;
	s8 =	sadd.s32 $0x8000, s4  }
0xd: {  	v0 =	vimm.f32 $0.0e+00;
	v1 =	vimm.f32 $1.000000000e+00;
	s9 =	sadd.s32 $0xC000, s4;
	s10 =	sadd.s32 $0x10000, s4;
	s15 =	sshrl.u32 s4, $0x3  }
.LBB2_1:
0xe: {  	s17 =	simm.s32 $0x0;
	s18 =	simm.s32 $0x200  }
.LBB2_2:
0xf: {  	p0 =	sne.s32 s18, $0xFE00;
	[tilespmem:s17+$0xF0] =	vst v0  }
0x10: {  	[tilespmem:s17+$0x80] =	vst v0  }
0x11: {  	[tilespmem:s17+$0x90] =	vst v0  }
.Ltmp0:
0x12: {  	[tilespmem:s17+$0xA0] =	vst v0;
	(pc) =	sbr.rel @p0 .LBB2_2-.Ltmp0, $4  }
0x13: {  	[tilespmem:s17+$0xB0] =	vst v0  }
0x14: {  	[tilespmem:s17+$0xC0] =	vst v0  }
0x15: {  	[tilespmem:s17+$0xD0] =	vst v0  }
0x16: {  	[tilespmem:s17+$0xE0] =	vst v0;
	s17 =	sshra.s32 s18, $0x2;
	s18 =	sadd.s32 $0x200, s18  }
0x17: {  	[tilespmem:s17+$0xF0] =	vst v0  }
0x18: {  	[tilespmem:s17+$0x80] =	vst v0  }
0x19: {  	[tilespmem:s17+$0x90] =	vst v0  }
0x1a: {  	[tilespmem:s17+$0xA0] =	vst v0  }
0x1b: {  	[tilespmem:s17+$0xB0] =	vst v0  }
0x1c: {  	[tilespmem:s17+$0xC0] =	vst v0  }
0x1d: {  	[tilespmem:s17+$0xD0] =	vst v0  }
0x1e: {  	[tilespmem:s17+$0xE0] =	vst v0  }
0x1f: {  	[spmem:s4] =	stream.linear.scatter [tilespmem:s12], [sflag:$0x1], $0x4000, $0x38;
	[tilespmem:$0x18080] =	vst v63  }
0x20: {  	_ =	swait.ge [sflag:s13], $0x4000  }
0x21: {  	[sflag:s13] =	ssyncset.done $0x0  }
0x22: {  	[sflag:s13] =	ssyncadd.s32 $0xFFFFC000  }
0x23: {  	[spmem:s7] =	stream.linear.scatter [tilespmem:s12], [sflag:$0x1], $0x4000, $0x38;
	[tilespmem:$0x18080] =	vst v63  }
0x24: {  	_ =	swait.ge [sflag:s13], $0x4000  }
0x25: {  	[sflag:s13] =	ssyncset.done $0x0  }
0x26: {  	[sflag:s13] =	ssyncadd.s32 $0xFFFFC000  }
0x27: {  	[spmem:s8] =	stream.linear.scatter [tilespmem:s12], [sflag:$0x1], $0x4000, $0x38;
	[tilespmem:$0x18080] =	vst v63  }
0x28: {  	_ =	swait.ge [sflag:s13], $0x4000  }
0x29: {  	[sflag:s13] =	ssyncset.done $0x0  }
0x2a: {  	[sflag:s13] =	ssyncadd.s32 $0xFFFFC000  }
0x2b: {  	[spmem:s9] =	stream.linear.scatter [tilespmem:s12], [sflag:$0x1], $0x4000, $0x38;
	[tilespmem:$0x18080] =	vst v63  }
0x2c: {  	_ =	swait.ge [sflag:s13], $0x4000  }
0x2d: {  	[sflag:s13] =	ssyncset.done $0x0  }
0x2e: {  	[sflag:s13] =	ssyncadd.s32 $0xFFFFC000  }
0x2f: {  	[spmem:s10] =	stream.linear.scatter [tilespmem:s12], [sflag:$0x1], $0x4000, $0x38;
	[tilespmem:$0x18080] =	vst v63  }
0x30: {  	_ =	swait.ge [sflag:s13], $0x4000  }
0x31: {  	[sflag:s13] =	ssyncset.done $0x0  }
0x32: {  	s17 =	simm.s32 $0x0;
	s18 =	simm.s32 $0x200;
	[sflag:s13] =	ssyncadd.s32 $0xFFFFC000  }
.LBB2_4:
0x33: {  	p0 =	sne.s32 s18, $0xFE00;
	[tilespmem:s17+$0xF0] =	vst v1  }
0x34: {  	[tilespmem:s17+$0x80] =	vst v1  }
0x35: {  	[tilespmem:s17+$0x90] =	vst v1  }
.Ltmp1:
0x36: {  	[tilespmem:s17+$0xA0] =	vst v1;
	(pc) =	sbr.rel @p0 .LBB2_4-.Ltmp1, $4  }
0x37: {  	[tilespmem:s17+$0xB0] =	vst v1  }
0x38: {  	[tilespmem:s17+$0xC0] =	vst v1  }
0x39: {  	[tilespmem:s17+$0xD0] =	vst v1  }
0x3a: {  	[tilespmem:s17+$0xE0] =	vst v1;
	s17 =	sshra.s32 s18, $0x2;
	s18 =	sadd.s32 $0x200, s18  }
0x3b: {  	[tilespmem:s17+$0xF0] =	vst v1  }
0x3c: {  	[tilespmem:s17+$0x80] =	vst v1  }
0x3d: {  	[tilespmem:s17+$0x90] =	vst v1  }
0x3e: {  	[tilespmem:s17+$0xA0] =	vst v1  }
0x3f: {  	[tilespmem:s17+$0xB0] =	vst v1  }
0x40: {  	[tilespmem:s17+$0xC0] =	vst v1  }
0x41: {  	[tilespmem:s17+$0xD0] =	vst v1  }
0x42: {  	[tilespmem:s17+$0xE0] =	vst v1  }
0x43: {  	s31 =	sadd.s32 $0x0, s11;
	[bflag:$0x0] =	sbarrier.arrive $0xFFFF  }
0x44: {  	[tilespmem:s3], [sflag:$0x1] =	stream.linear.gather [hbm4b:s31+s3], $0x80, $0x38;
	[tilespmem:$0x18080] =	vst v63  }
0x45: {  	_ =	swait.ge [sflag:s13], $0x80  }
0x46: {  	[sflag:s13] =	ssyncset.done $0x0  }
0x47: {  	[sflag:s13] =	ssyncadd.s32 $0xFFFFFF80  }
0x48: {  	[spmem:s2] =	stream.indirect.scatter.add.f32 [tilespmem:s12], [sflag:$0x1], $0x80, s3, s12, $0xb8;
	[tilespmem:$0x18080] =	vst v63  }
0x49: {  	_ =	swait.ge [sflag:s13], $0x4000  }
0x4a: {  	s17 =	simm.s32 $0x10;
	s18 =	simm.s32 $0x20;
	[sflag:s13] =	ssyncset.done $0x0  }
.LBB2_6:
0x4b: {  	s19 =	sadd.s32 s17, s11  }
0x4c: {  	[sflag:s13] =	ssyncadd.s32 $0xFFFFC000;
	s17 =	smov.u32 s18;
	s20 =	sadd.s32 $0x10, s18  }
0x4d: {  	[tilespmem:s3], [sflag:$0x1] =	stream.linear.gather [hbm4b:s19+s3], $0x80, $0x38;
	[tilespmem:$0x18080] =	vst v63  }
0x4e: {  	p0 =	sne.s32 s18, $0x4E0;
	_ =	swait.ge [sflag:s13], $0x80  }
.Ltmp2:
0x4f: {  	[sflag:s13] =	ssyncset.done $0x0;
	(pc) =	sbr.rel @p0 .LBB2_6-.Ltmp2, $4  }
0x50: {  	[sflag:s13] =	ssyncadd.s32 $0xFFFFFF80  }
0x51: {  	[spmem:s2] =	stream.indirect.scatter.add.f32 [tilespmem:s12], [sflag:$0x1], $0x80, s3, s12, $0xb8;
	[tilespmem:$0x18080] =	vst v63  }
0x52: {  	_ =	swait.ge [sflag:s13], $0x4000  }
0x53: {  	s18 =	smov.u32 s20;
	[sflag:s13] =	ssyncset.done $0x0  }
0x54: {  	s17 =	sadd.s32 s17, s11;
	[sflag:s13] =	ssyncadd.s32 $0xFFFFC000  }
0x55: {  	[tilespmem:s3], [sflag:$0x1] =	stream.linear.gather [hbm4b:s17+s3], $0x80, $0x38;
	[tilespmem:$0x18080] =	vst v63  }
0x56: {  	_ =	swait.ge [sflag:s13], $0x80  }
0x57: {  	[sflag:s13] =	ssyncset.done $0x0  }
0x58: {  	[sflag:s13] =	ssyncadd.s32 $0xFFFFFF80  }
0x59: {  	[spmem:s2] =	stream.indirect.scatter.add.f32 [tilespmem:s12], [sflag:$0x1], $0x80, s3, s12, $0xb8;
	[tilespmem:$0x18080] =	vst v63  }
0x5a: {  	_ =	swait.ge [sflag:s13], $0x4000  }
0x5b: {  	s16 =	sadd.s32 $0x1, s16;
	[sflag:s13] =	ssyncset.done $0x0  }
0x5c: {  	p0 =	sne.s32 s16, s6;
	[sflag:s13] =	ssyncadd.s32 $0xFFFFC000  }
.Ltmp3:
0x5d: {  	[bflag:$0x0] =	sbarrier.arrive $0xFFFF;
	(pc) =	sbr.rel @p0 .LBB2_1-.Ltmp3, $4  }
0x5e: {  	[hbm:s5], [sflag:s14] =	dma.local [spmem:s15], $0x2800  }
0x5f: {  	_ =	swait.ge [sflag:s13], $0x2800  }
0x60: {  	[sflag:s13] =	ssyncset.done $0x0  }
0x61: {  	[sflag:s13] =	ssyncadd.s32 $0xFFFFD800  }
0x62: {  	_ =	sfence.sel $0x180000  }
0x63: {  	[bflag:$0x0] =	sbarrier.arrive $0xFFFF  }
0x64: {  	p0 =	sne.s32 s1, $0x0;
	_ =	strace $0x90000047  }
0x65: {  	s0 =	sadd.s32 @!p0 $0x100000, s0;
	[bflag:$0x2] =	sbarrier.arrive $0xFFFF  }
0x66: {  	[sflag:s0] =	ssyncadd.tile.s32 @!p0 $0x1;
	_ =	shalt  }
.Lfunc_end2:
_tile_overlayer_lowered:
.L_overlay_start_2:
0x67: {  	(tag) =	ssettag $0x2  }
0x68: {  	s0 =	rddreg [dreg:$0x0];
	s2 =	stileid.u32  }
0x69: {  	s1 =	rddreg [dreg:$0x1];
	p0 =	sne.s32 s2, $0x0  }
0x6a: {  	s3 =	rddreg [dreg:$0x2];
	[bflag:$0x3] =	sbarrier.arrive $0xFFFF;
	s2 =	simm.s32 @!p0 $0x1C01  }
0x6b: {  	[timem:s3], [sflag:s2] =	dma.local @!p0 [hbm:s0], s1  }
0x6c: {  	s0 =	simm.s32 @!p0 $0x1  }
0x6d: {  	_ =	swait.ge @!p0 [sflag:s0], s1  }
0x6e: {  	s1 =	ssub.s32 @!p0 $0x0, s1;
	[sflag:s0] =	ssyncset.done @!p0 $0x0  }
0x6f: {  	[sflag:s0] =	ssyncadd.s32 @!p0 s1  }
0x70: {  	[bflag:$0x3] =	sbarrier.arrive $0xFFFF  }
0x71: {  	_ =	shalt  }

</sc_bundles>
